<compile_context>
chip_gen: v7x
topology: tpu7x:2x2x1
jax: 0.10.2.dev20260603
libtpu: 0.0.44.dev20260713+nightly
codegen_flags: <defaults>
</compile_context>

<pallas_src>
import functools

import jax
import jax.numpy as jnp
from jax import lax
from jax.experimental import pallas as pl
from jax.experimental.pallas import tpu as pltpu
from jax.experimental.pallas import tpu_sc as plsc

_NSHIFT = 8
_GROWS = 128


def _sc_build_windows(seq: int, d: int, num_rel: int, win_rows: int):
    max_len = (num_rel + 1) // 2
    win_start = max_len - seq
    info = plsc.get_sparse_core_info()
    nc, ns, nl = info.num_cores, info.num_subcores, info.num_lanes
    nw = nc * ns
    n_sub = -(-win_rows // _GROWS)
    tasks_per_w = -(-(_NSHIFT * n_sub) // nw)
    assert _NSHIFT * n_sub == nw * tasks_per_w and d % nl == 0
    tail = win_rows - (n_sub - 1) * _GROWS

    mesh = plsc.VectorSubcoreMesh(core_axis_name="c", subcore_axis_name="s")

    @functools.partial(
        pl.kernel,
        mesh=mesh,
        out_type=jax.ShapeDtypeStruct((_NSHIFT, win_rows, d), jnp.float32),
        scratch_types=[
            [pltpu.VMEM((_GROWS,), jnp.int32) for _ in range(2)],
            [pltpu.VMEM((_GROWS, d), jnp.float32) for _ in range(2)],
            pltpu.SemaphoreType.DMA,
            pltpu.SemaphoreType.DMA,
        ],
    )
    def body(table_hbm, win8_hbm, idx_vs, rows_vs, gsem, wsem):
        cid = lax.axis_index("c")
        sid = lax.axis_index("s")
        wid = sid * nc + cid
        assert tasks_per_w == 2
        gathers, writes = [], []
        for jj in range(tasks_per_w):
            t = wid * tasks_per_w + jj
            s = t // n_sub
            g = t - s * n_sub
            gr0 = win_start + s + g * _GROWS
            for gg in range(_GROWS // nl):
                idx_vs[jj][pl.ds(gg * nl, nl)] = gr0 + gg * nl + lax.iota(jnp.int32, nl)
            c = pltpu.make_async_copy(table_hbm.at[idx_vs[jj]], rows_vs[jj], gsem)
            c.start()
            gathers.append((c, s, g))
        for jj in range(tasks_per_w):
            c, s, g = gathers[jj]
            c.wait()

            @pl.when(g < n_sub - 1)
            def _full():
                w = pltpu.make_async_copy(
                    rows_vs[jj],
                    win8_hbm.at[s, pl.ds(pl.multiple_of(g * _GROWS, _GROWS), _GROWS), :],
                    wsem,
                )
                w.start()

            @pl.when(g == n_sub - 1)
            def _tail():
                w = pltpu.make_async_copy(
                    rows_vs[jj].at[pl.ds(0, tail)],
                    win8_hbm.at[s, pl.ds((n_sub - 1) * _GROWS, tail), :],
                    wsem,
                )
                w.start()

        for jj in range(tasks_per_w):
            _, s, g = gathers[jj]

            @pl.when(g < n_sub - 1)
            def _wfull():
                pltpu.make_async_copy(
                    rows_vs[jj],
                    win8_hbm.at[s, pl.ds(pl.multiple_of(g * _GROWS, _GROWS), _GROWS), :],
                    wsem,
                ).wait()

            @pl.when(g == n_sub - 1)
            def _wtail():
                pltpu.make_async_copy(
                    rows_vs[jj].at[pl.ds(0, tail)],
                    win8_hbm.at[s, pl.ds((n_sub - 1) * _GROWS, tail), :],
                    wsem,
                ).wait()

    return body


def _tc_broadcast(seq: int, d: int, win_rows: int):
    blk = _NSHIFT
    nblk = seq // blk

    def body(win8_ref, out_ref):
        q = pl.program_id(0)
        for r in range(blk):
            s = _NSHIFT - 1 - (r % _NSHIFT)
            off = pl.multiple_of(
                seq - _NSHIFT - blk * q - _NSHIFT * (r // _NSHIFT), _NSHIFT
            )
            out_ref[r] = win8_ref[s, pl.ds(off, seq), :]

    return pl.pallas_call(
        body,
        grid=(nblk,),
        out_shape=jax.ShapeDtypeStruct((seq, seq, d), jnp.float32),
        in_specs=[
            pl.BlockSpec((_NSHIFT, win_rows, d), lambda q: (0, 0, 0)),
        ],
        out_specs=pl.BlockSpec((blk, seq, d), lambda q: (q, 0, 0)),
        compiler_params=pltpu.CompilerParams(
            dimension_semantics=("arbitrary",),
            vmem_limit_bytes=100 * 1024 * 1024,
        ),
    )


def kernel(x, relative_embeddings):
    seq = x.shape[0]
    d = relative_embeddings.shape[1]
    num_rel = relative_embeddings.shape[0]
    win_rows = 2 * seq - _NSHIFT

    win8 = _sc_build_windows(seq, d, num_rel, win_rows)(relative_embeddings)
    return _tc_broadcast(seq, d, win_rows)(win8)

# --- scband reference (transcript-rebuilt; emitter-appended) ---
"""Pipeline reference for scband-relative-positional-encoding-50964081934920 (READ-ONLY COPY).

The authoritative reference and input builder live on the scoring server;
editing this copy changes nothing except your own understanding.
"""

import jax, jax.numpy as jnp
import numpy as np

D_MODEL = 256
MAX_LEN = 5000
SEQ_LEN = 512

def setup_inputs(seed: int = 0) -> dict:
    key = jax.random.key(seed)
    k1, k2 = jax.random.split(key)
    x = jax.random.normal(k1, (SEQ_LEN, D_MODEL), dtype=jnp.float32)
    relative_embeddings = jax.random.normal(k2, (2 * MAX_LEN - 1, D_MODEL), dtype=jnp.float32)
    return {"x": x, "relative_embeddings": relative_embeddings}

def reference(x, relative_embeddings):
    seq_len = x.shape[0]
    positions = jnp.arange(seq_len)
    relative_positions = positions[None, :] - positions[:, None]
    relative_positions = relative_positions + MAX_LEN - 1
    relative_embeds = jnp.take(relative_embeddings, relative_positions, axis=0)
    return relative_embeds

if __name__ == "__main__":
    import jax
    _d = setup_inputs()
    print(jax.jit(kernel)(*tuple(_d.values())))

</pallas_src>

<mosaic_0001>
#map = affine_map<(d0, d1) -> (0, 0)>
#map1 = affine_map<(d0, d1) -> (0, 0, 0)>
module attributes {stable_mosaic.version = 14 : i64} {
  func.func @body(%arg0: i32, %arg1: i32, %arg2: memref<9999x256xf32, #tpu.memory_space<hbm>>, %arg3: memref<8x1016x256xf32, #tpu.memory_space<hbm>>, %arg4: memref<128xi32, #tpu.memory_space<vmem>>, %arg5: memref<128xi32, #tpu.memory_space<vmem>>, %arg6: memref<128x256xf32, #tpu.memory_space<vmem>>, %arg7: memref<128x256xf32, #tpu.memory_space<vmem>>, %arg8: memref<!tpu.dma_semaphore, #tpu.memory_space<semaphore_mem>>, %arg9: memref<!tpu.dma_semaphore, #tpu.memory_space<semaphore_mem>>) attributes {dimension_semantics = [#tpu.dimension_semantics<core_parallel>, #tpu.dimension_semantics<subcore_parallel>], iteration_bounds = array<i64: 2, 16>, scalar_prefetch = 0 : i64, scratch_operands = 6 : i64, tpu.core_type = #tpu.core_type<sc_vector_subcore>, window_params = [{transform_indices = #map}, {transform_indices = #map1}]} {
    %mul3A = arith.constant 2 : i32
    %mul3A_0 = arith.muli %arg1, %mul3A : i32
    %add3A = arith.addi %mul3A_0, %arg0 : i32
    %mul3A_1 = arith.constant 2 : i32
    %mul3A_2 = arith.muli %add3A, %mul3A_1 : i32
    %add3A_3 = arith.constant 0 : i32
    %add3A_4 = arith.addi %mul3A_2, %add3A_3 : i32
    %jit3A = arith.constant 8 : i32
    %div3A = arith.divsi %add3A_4, %jit3A : i32
    %sign3A = arith.constant 0 : i32
    %sign3A_5 = arith.cmpi sgt, %add3A_4, %sign3A : i32
    %sign3A_6 = arith.extui %sign3A_5 : i1 to i32
    %sign3A_7 = arith.constant 0 : i32
    %sign3A_8 = arith.cmpi slt, %add3A_4, %sign3A_7 : i32
    %sign3A_9 = arith.extui %sign3A_8 : i1 to i32
    %sign3A_10 = arith.subi %sign3A_6, %sign3A_9 : i32
    %sign3A_11 = arith.constant 0 : i32
    %sign3A_12 = arith.cmpi sgt, %jit3A, %sign3A_11 : i32
    %sign3A_13 = arith.extui %sign3A_12 : i1 to i32
    %sign3A_14 = arith.constant 0 : i32
    %sign3A_15 = arith.cmpi slt, %jit3A, %sign3A_14 : i32
    %sign3A_16 = arith.extui %sign3A_15 : i1 to i32
    %sign3A_17 = arith.subi %sign3A_13, %sign3A_16 : i32
    %ne3A = arith.cmpi ne, %sign3A_10, %sign3A_17 : i32
    %rem3A = arith.remsi %add3A_4, %jit3A : i32
    %ne3A_18 = arith.constant 0 : i32
    %ne3A_19 = arith.cmpi ne, %rem3A, %ne3A_18 : i32
    %and3A = arith.andi %ne3A, %ne3A_19 : i1
    %sub3A = arith.constant 1 : i32
    %sub3A_20 = arith.subi %div3A, %sub3A : i32
    %select_n3A = arith.select %and3A, %sub3A_20, %div3A : i32
    %mul3A_21 = arith.constant 8 : i32
    %mul3A_22 = arith.muli %select_n3A, %mul3A_21 : i32
    %sub3A_23 = arith.subi %add3A_4, %mul3A_22 : i32
    %add3A_24 = arith.constant 4488 : i32
    %add3A_25 = arith.addi %add3A_24, %select_n3A : i32
    %mul3A_26 = arith.constant 128 : i32
    %mul3A_27 = arith.muli %sub3A_23, %mul3A_26 : i32
    %add3A_28 = arith.addi %add3A_25, %mul3A_27 : i32
    %add3A_29 = arith.constant 0 : i32
    %add3A_30 = arith.addi %add3A_28, %add3A_29 : i32
    %iota3A = tpu.iota {dimensions = array<i32: 0>} : vector<16xi32>
    %add3A_31 = vector.broadcast %add3A_30 : i32 to vector<16xi32>
    %add3A_32 = arith.addi %add3A_31, %iota3A : vector<16xi32>
    %swap3A = arith.constant 0 : index
    %swap3A_33 = tpu.vector_load %arg4[%swap3A] {strides = array<i32>} : memref<128xi32, #tpu.memory_space<vmem>>, vector<16xi32>,
    %swap3A_34 = vector.shape_cast %swap3A_33 : vector<16xi32> to vector<16xi32>
    %swap3A_35 = vector.shape_cast %add3A_32 : vector<16xi32> to vector<16xi32>
    tpu.vector_store %arg4[%swap3A], %swap3A_35 {strides = array<i32>} : memref<128xi32, #tpu.memory_space<vmem>>, vector<16xi32>,
    %add3A_36 = arith.constant 16 : i32
    %add3A_37 = arith.addi %add3A_28, %add3A_36 : i32
    %iota3A_38 = tpu.iota {dimensions = array<i32: 0>} : vector<16xi32>
    %add3A_39 = vector.broadcast %add3A_37 : i32 to vector<16xi32>
    %add3A_40 = arith.addi %add3A_39, %iota3A_38 : vector<16xi32>
    %swap3A_41 = arith.constant 16 : index
    %swap3A_42 = tpu.vector_load %arg4[%swap3A_41] {strides = array<i32>} : memref<128xi32, #tpu.memory_space<vmem>>, vector<16xi32>,
    %swap3A_43 = vector.shape_cast %swap3A_42 : vector<16xi32> to vector<16xi32>
    %swap3A_44 = vector.shape_cast %add3A_40 : vector<16xi32> to vector<16xi32>
    tpu.vector_store %arg4[%swap3A_41], %swap3A_44 {strides = array<i32>} : memref<128xi32, #tpu.memory_space<vmem>>, vector<16xi32>,
    %add3A_45 = arith.constant 32 : i32
    %add3A_46 = arith.addi %add3A_28, %add3A_45 : i32
    %iota3A_47 = tpu.iota {dimensions = array<i32: 0>} : vector<16xi32>
    %add3A_48 = vector.broadcast %add3A_46 : i32 to vector<16xi32>
    %add3A_49 = arith.addi %add3A_48, %iota3A_47 : vector<16xi32>
    %swap3A_50 = arith.constant 32 : index
    %swap3A_51 = tpu.vector_load %arg4[%swap3A_50] {strides = array<i32>} : memref<128xi32, #tpu.memory_space<vmem>>, vector<16xi32>,
    %swap3A_52 = vector.shape_cast %swap3A_51 : vector<16xi32> to vector<16xi32>
    %swap3A_53 = vector.shape_cast %add3A_49 : vector<16xi32> to vector<16xi32>
    tpu.vector_store %arg4[%swap3A_50], %swap3A_53 {strides = array<i32>} : memref<128xi32, #tpu.memory_space<vmem>>, vector<16xi32>,
    %add3A_54 = arith.constant 48 : i32
    %add3A_55 = arith.addi %add3A_28, %add3A_54 : i32
    %iota3A_56 = tpu.iota {dimensions = array<i32: 0>} : vector<16xi32>
    %add3A_57 = vector.broadcast %add3A_55 : i32 to vector<16xi32>
    %add3A_58 = arith.addi %add3A_57, %iota3A_56 : vector<16xi32>
    %swap3A_59 = arith.constant 48 : index
    %swap3A_60 = tpu.vector_load %arg4[%swap3A_59] {strides = array<i32>} : memref<128xi32, #tpu.memory_space<vmem>>, vector<16xi32>,
    %swap3A_61 = vector.shape_cast %swap3A_60 : vector<16xi32> to vector<16xi32>
    %swap3A_62 = vector.shape_cast %add3A_58 : vector<16xi32> to vector<16xi32>
    tpu.vector_store %arg4[%swap3A_59], %swap3A_62 {strides = array<i32>} : memref<128xi32, #tpu.memory_space<vmem>>, vector<16xi32>,
    %add3A_63 = arith.constant 64 : i32
    %add3A_64 = arith.addi %add3A_28, %add3A_63 : i32
    %iota3A_65 = tpu.iota {dimensions = array<i32: 0>} : vector<16xi32>
    %add3A_66 = vector.broadcast %add3A_64 : i32 to vector<16xi32>
    %add3A_67 = arith.addi %add3A_66, %iota3A_65 : vector<16xi32>
    %swap3A_68 = arith.constant 64 : index
    %swap3A_69 = tpu.vector_load %arg4[%swap3A_68] {strides = array<i32>} : memref<128xi32, #tpu.memory_space<vmem>>, vector<16xi32>,
    %swap3A_70 = vector.shape_cast %swap3A_69 : vector<16xi32> to vector<16xi32>
    %swap3A_71 = vector.shape_cast %add3A_67 : vector<16xi32> to vector<16xi32>
    tpu.vector_store %arg4[%swap3A_68], %swap3A_71 {strides = array<i32>} : memref<128xi32, #tpu.memory_space<vmem>>, vector<16xi32>,
    %add3A_72 = arith.constant 80 : i32
    %add3A_73 = arith.addi %add3A_28, %add3A_72 : i32
    %iota3A_74 = tpu.iota {dimensions = array<i32: 0>} : vector<16xi32>
    %add3A_75 = vector.broadcast %add3A_73 : i32 to vector<16xi32>
    %add3A_76 = arith.addi %add3A_75, %iota3A_74 : vector<16xi32>
    %swap3A_77 = arith.constant 80 : index
    %swap3A_78 = tpu.vector_load %arg4[%swap3A_77] {strides = array<i32>} : memref<128xi32, #tpu.memory_space<vmem>>, vector<16xi32>,
    %swap3A_79 = vector.shape_cast %swap3A_78 : vector<16xi32> to vector<16xi32>
    %swap3A_80 = vector.shape_cast %add3A_76 : vector<16xi32> to vector<16xi32>
    tpu.vector_store %arg4[%swap3A_77], %swap3A_80 {strides = array<i32>} : memref<128xi32, #tpu.memory_space<vmem>>, vector<16xi32>,
    %add3A_81 = arith.constant 96 : i32
    %add3A_82 = arith.addi %add3A_28, %add3A_81 : i32
    %iota3A_83 = tpu.iota {dimensions = array<i32: 0>} : vector<16xi32>
    %add3A_84 = vector.broadcast %add3A_82 : i32 to vector<16xi32>
    %add3A_85 = arith.addi %add3A_84, %iota3A_83 : vector<16xi32>
    %swap3A_86 = arith.constant 96 : index
    %swap3A_87 = tpu.vector_load %arg4[%swap3A_86] {strides = array<i32>} : memref<128xi32, #tpu.memory_space<vmem>>, vector<16xi32>,
    %swap3A_88 = vector.shape_cast %swap3A_87 : vector<16xi32> to vector<16xi32>
    %swap3A_89 = vector.shape_cast %add3A_85 : vector<16xi32> to vector<16xi32>
    tpu.vector_store %arg4[%swap3A_86], %swap3A_89 {strides = array<i32>} : memref<128xi32, #tpu.memory_space<vmem>>, vector<16xi32>,
    %add3A_90 = arith.constant 112 : i32
    %add3A_91 = arith.addi %add3A_28, %add3A_90 : i32
    %iota3A_92 = tpu.iota {dimensions = array<i32: 0>} : vector<16xi32>
    %add3A_93 = vector.broadcast %add3A_91 : i32 to vector<16xi32>
    %add3A_94 = arith.addi %add3A_93, %iota3A_92 : vector<16xi32>
    %swap3A_95 = arith.constant 112 : index
    %swap3A_96 = tpu.vector_load %arg4[%swap3A_95] {strides = array<i32>} : memref<128xi32, #tpu.memory_space<vmem>>, vector<16xi32>,
    %swap3A_97 = vector.shape_cast %swap3A_96 : vector<16xi32> to vector<16xi32>
    %swap3A_98 = vector.shape_cast %add3A_94 : vector<16xi32> to vector<16xi32>
    tpu.vector_store %arg4[%swap3A_95], %swap3A_98 {strides = array<i32>} : memref<128xi32, #tpu.memory_space<vmem>>, vector<16xi32>,
    %dma_start3A = arith.constant 0 : i32
    %dma_start3A_99 = arith.constant 0 : i32
    %dma_start3A_100 = tpu.memref_slice %arg2[%dma_start3A, %dma_start3A_99] : memref<9999x256xf32, #tpu.memory_space<hbm>> -> memref<9999x256xf32, #tpu.memory_space<hbm>>
    tpu.enqueue_indirect_dma source(%dma_start3A_100 : memref<9999x256xf32, #tpu.memory_space<hbm>>) target(%arg6 : memref<128x256xf32, #tpu.memory_space<vmem>>) offsets(%arg4 : memref<128xi32, #tpu.memory_space<vmem>>) semaphore(%arg8 : memref<!tpu.dma_semaphore, #tpu.memory_space<semaphore_mem>>)
    %mul3A_101 = arith.constant 2 : i32
    %mul3A_102 = arith.muli %add3A, %mul3A_101 : i32
    %add3A_103 = arith.constant 1 : i32
    %add3A_104 = arith.addi %mul3A_102, %add3A_103 : i32
    %jit3A_105 = arith.constant 8 : i32
    %div3A_106 = arith.divsi %add3A_104, %jit3A_105 : i32
    %sign3A_107 = arith.constant 0 : i32
    %sign3A_108 = arith.cmpi sgt, %add3A_104, %sign3A_107 : i32
    %sign3A_109 = arith.extui %sign3A_108 : i1 to i32
    %sign3A_110 = arith.constant 0 : i32
    %sign3A_111 = arith.cmpi slt, %add3A_104, %sign3A_110 : i32
    %sign3A_112 = arith.extui %sign3A_111 : i1 to i32
    %sign3A_113 = arith.subi %sign3A_109, %sign3A_112 : i32
    %sign3A_114 = arith.constant 0 : i32
    %sign3A_115 = arith.cmpi sgt, %jit3A_105, %sign3A_114 : i32
    %sign3A_116 = arith.extui %sign3A_115 : i1 to i32
    %sign3A_117 = arith.constant 0 : i32
    %sign3A_118 = arith.cmpi slt, %jit3A_105, %sign3A_117 : i32
    %sign3A_119 = arith.extui %sign3A_118 : i1 to i32
    %sign3A_120 = arith.subi %sign3A_116, %sign3A_119 : i32
    %ne3A_121 = arith.cmpi ne, %sign3A_113, %sign3A_120 : i32
    %rem3A_122 = arith.remsi %add3A_104, %jit3A_105 : i32
    %ne3A_123 = arith.constant 0 : i32
    %ne3A_124 = arith.cmpi ne, %rem3A_122, %ne3A_123 : i32
    %and3A_125 = arith.andi %ne3A_121, %ne3A_124 : i1
    %sub3A_126 = arith.constant 1 : i32
    %sub3A_127 = arith.subi %div3A_106, %sub3A_126 : i32
    %select_n3A_128 = arith.select %and3A_125, %sub3A_127, %div3A_106 : i32
    %mul3A_129 = arith.constant 8 : i32
    %mul3A_130 = arith.muli %select_n3A_128, %mul3A_129 : i32
    %sub3A_131 = arith.subi %add3A_104, %mul3A_130 : i32
    %add3A_132 = arith.constant 4488 : i32
    %add3A_133 = arith.addi %add3A_132, %select_n3A_128 : i32
    %mul3A_134 = arith.constant 128 : i32
    %mul3A_135 = arith.muli %sub3A_131, %mul3A_134 : i32
    %add3A_136 = arith.addi %add3A_133, %mul3A_135 : i32
    %add3A_137 = arith.constant 0 : i32
    %add3A_138 = arith.addi %add3A_136, %add3A_137 : i32
    %iota3A_139 = tpu.iota {dimensions = array<i32: 0>} : vector<16xi32>
    %add3A_140 = vector.broadcast %add3A_138 : i32 to vector<16xi32>
    %add3A_141 = arith.addi %add3A_140, %iota3A_139 : vector<16xi32>
    %swap3A_142 = arith.constant 0 : index
    %swap3A_143 = tpu.vector_load %arg5[%swap3A_142] {strides = array<i32>} : memref<128xi32, #tpu.memory_space<vmem>>, vector<16xi32>,
    %swap3A_144 = vector.shape_cast %swap3A_143 : vector<16xi32> to vector<16xi32>
    %swap3A_145 = vector.shape_cast %add3A_141 : vector<16xi32> to vector<16xi32>
    tpu.vector_store %arg5[%swap3A_142], %swap3A_145 {strides = array<i32>} : memref<128xi32, #tpu.memory_space<vmem>>, vector<16xi32>,
    %add3A_146 = arith.constant 16 : i32
    %add3A_147 = arith.addi %add3A_136, %add3A_146 : i32
    %iota3A_148 = tpu.iota {dimensions = array<i32: 0>} : vector<16xi32>
    %add3A_149 = vector.broadcast %add3A_147 : i32 to vector<16xi32>
    %add3A_150 = arith.addi %add3A_149, %iota3A_148 : vector<16xi32>
    %swap3A_151 = arith.constant 16 : index
    %swap3A_152 = tpu.vector_load %arg5[%swap3A_151] {strides = array<i32>} : memref<128xi32, #tpu.memory_space<vmem>>, vector<16xi32>,
    %swap3A_153 = vector.shape_cast %swap3A_152 : vector<16xi32> to vector<16xi32>
    %swap3A_154 = vector.shape_cast %add3A_150 : vector<16xi32> to vector<16xi32>
    tpu.vector_store %arg5[%swap3A_151], %swap3A_154 {strides = array<i32>} : memref<128xi32, #tpu.memory_space<vmem>>, vector<16xi32>,
    %add3A_155 = arith.constant 32 : i32
    %add3A_156 = arith.addi %add3A_136, %add3A_155 : i32
    %iota3A_157 = tpu.iota {dimensions = array<i32: 0>} : vector<16xi32>
    %add3A_158 = vector.broadcast %add3A_156 : i32 to vector<16xi32>
    %add3A_159 = arith.addi %add3A_158, %iota3A_157 : vector<16xi32>
    %swap3A_160 = arith.constant 32 : index
    %swap3A_161 = tpu.vector_load %arg5[%swap3A_160] {strides = array<i32>} : memref<128xi32, #tpu.memory_space<vmem>>, vector<16xi32>,
    %swap3A_162 = vector.shape_cast %swap3A_161 : vector<16xi32> to vector<16xi32>
    %swap3A_163 = vector.shape_cast %add3A_159 : vector<16xi32> to vector<16xi32>
    tpu.vector_store %arg5[%swap3A_160], %swap3A_163 {strides = array<i32>} : memref<128xi32, #tpu.memory_space<vmem>>, vector<16xi32>,
    %add3A_164 = arith.constant 48 : i32
    %add3A_165 = arith.addi %add3A_136, %add3A_164 : i32
    %iota3A_166 = tpu.iota {dimensions = array<i32: 0>} : vector<16xi32>
    %add3A_167 = vector.broadcast %add3A_165 : i32 to vector<16xi32>
    %add3A_168 = arith.addi %add3A_167, %iota3A_166 : vector<16xi32>
    %swap3A_169 = arith.constant 48 : index
    %swap3A_170 = tpu.vector_load %arg5[%swap3A_169] {strides = array<i32>} : memref<128xi32, #tpu.memory_space<vmem>>, vector<16xi32>,
    %swap3A_171 = vector.shape_cast %swap3A_170 : vector<16xi32> to vector<16xi32>
    %swap3A_172 = vector.shape_cast %add3A_168 : vector<16xi32> to vector<16xi32>
    tpu.vector_store %arg5[%swap3A_169], %swap3A_172 {strides = array<i32>} : memref<128xi32, #tpu.memory_space<vmem>>, vector<16xi32>,
    %add3A_173 = arith.constant 64 : i32
    %add3A_174 = arith.addi %add3A_136, %add3A_173 : i32
    %iota3A_175 = tpu.iota {dimensions = array<i32: 0>} : vector<16xi32>
    %add3A_176 = vector.broadcast %add3A_174 : i32 to vector<16xi32>
    %add3A_177 = arith.addi %add3A_176, %iota3A_175 : vector<16xi32>
    %swap3A_178 = arith.constant 64 : index
    %swap3A_179 = tpu.vector_load %arg5[%swap3A_178] {strides = array<i32>} : memref<128xi32, #tpu.memory_space<vmem>>, vector<16xi32>,
    %swap3A_180 = vector.shape_cast %swap3A_179 : vector<16xi32> to vector<16xi32>
    %swap3A_181 = vector.shape_cast %add3A_177 : vector<16xi32> to vector<16xi32>
    tpu.vector_store %arg5[%swap3A_178], %swap3A_181 {strides = array<i32>} : memref<128xi32, #tpu.memory_space<vmem>>, vector<16xi32>,
    %add3A_182 = arith.constant 80 : i32
    %add3A_183 = arith.addi %add3A_136, %add3A_182 : i32
    %iota3A_184 = tpu.iota {dimensions = array<i32: 0>} : vector<16xi32>
    %add3A_185 = vector.broadcast %add3A_183 : i32 to vector<16xi32>
    %add3A_186 = arith.addi %add3A_185, %iota3A_184 : vector<16xi32>
    %swap3A_187 = arith.constant 80 : index
    %swap3A_188 = tpu.vector_load %arg5[%swap3A_187] {strides = array<i32>} : memref<128xi32, #tpu.memory_space<vmem>>, vector<16xi32>,
    %swap3A_189 = vector.shape_cast %swap3A_188 : vector<16xi32> to vector<16xi32>
    %swap3A_190 = vector.shape_cast %add3A_186 : vector<16xi32> to vector<16xi32>
    tpu.vector_store %arg5[%swap3A_187], %swap3A_190 {strides = array<i32>} : memref<128xi32, #tpu.memory_space<vmem>>, vector<16xi32>,
    %add3A_191 = arith.constant 96 : i32
    %add3A_192 = arith.addi %add3A_136, %add3A_191 : i32
    %iota3A_193 = tpu.iota {dimensions = array<i32: 0>} : vector<16xi32>
    %add3A_194 = vector.broadcast %add3A_192 : i32 to vector<16xi32>
    %add3A_195 = arith.addi %add3A_194, %iota3A_193 : vector<16xi32>
    %swap3A_196 = arith.constant 96 : index
    %swap3A_197 = tpu.vector_load %arg5[%swap3A_196] {strides = array<i32>} : memref<128xi32, #tpu.memory_space<vmem>>, vector<16xi32>,
    %swap3A_198 = vector.shape_cast %swap3A_197 : vector<16xi32> to vector<16xi32>
    %swap3A_199 = vector.shape_cast %add3A_195 : vector<16xi32> to vector<16xi32>
    tpu.vector_store %arg5[%swap3A_196], %swap3A_199 {strides = array<i32>} : memref<128xi32, #tpu.memory_space<vmem>>, vector<16xi32>,
    %add3A_200 = arith.constant 112 : i32
    %add3A_201 = arith.addi %add3A_136, %add3A_200 : i32
    %iota3A_202 = tpu.iota {dimensions = array<i32: 0>} : vector<16xi32>
    %add3A_203 = vector.broadcast %add3A_201 : i32 to vector<16xi32>
    %add3A_204 = arith.addi %add3A_203, %iota3A_202 : vector<16xi32>
    %swap3A_205 = arith.constant 112 : index
    %swap3A_206 = tpu.vector_load %arg5[%swap3A_205] {strides = array<i32>} : memref<128xi32, #tpu.memory_space<vmem>>, vector<16xi32>,
    %swap3A_207 = vector.shape_cast %swap3A_206 : vector<16xi32> to vector<16xi32>
    %swap3A_208 = vector.shape_cast %add3A_204 : vector<16xi32> to vector<16xi32>
    tpu.vector_store %arg5[%swap3A_205], %swap3A_208 {strides = array<i32>} : memref<128xi32, #tpu.memory_space<vmem>>, vector<16xi32>,
    %dma_start3A_209 = arith.constant 0 : i32
    %dma_start3A_210 = arith.constant 0 : i32
    %dma_start3A_211 = tpu.memref_slice %arg2[%dma_start3A_209, %dma_start3A_210] : memref<9999x256xf32, #tpu.memory_space<hbm>> -> memref<9999x256xf32, #tpu.memory_space<hbm>>
    tpu.enqueue_indirect_dma source(%dma_start3A_211 : memref<9999x256xf32, #tpu.memory_space<hbm>>) target(%arg7 : memref<128x256xf32, #tpu.memory_space<vmem>>) offsets(%arg5 : memref<128xi32, #tpu.memory_space<vmem>>) semaphore(%arg8 : memref<!tpu.dma_semaphore, #tpu.memory_space<semaphore_mem>>)
    %dma_wait3A = arith.constant 0 : i32
    %dma_wait3A_212 = arith.constant 0 : i32
    %dma_wait3A_213 = tpu.memref_slice %arg2[%dma_wait3A, %dma_wait3A_212] : memref<9999x256xf32, #tpu.memory_space<hbm>> -> memref<9999x256xf32, #tpu.memory_space<hbm>>
    tpu.wait_indirect_dma semaphore(%arg8 : memref<!tpu.dma_semaphore, #tpu.memory_space<semaphore_mem>>) src(%dma_wait3A_213 : memref<9999x256xf32, #tpu.memory_space<hbm>>) dst(%arg6 : memref<128x256xf32, #tpu.memory_space<vmem>>)
    %lt3A = arith.constant 7 : i32
    %lt3A_214 = arith.cmpi slt, %sub3A_23, %lt3A : i32
    %convert_element_type3A = arith.extui %lt3A_214 : i1 to i32
    %cond3A = arith.constant 0 : i32
    %cond3A_215 = arith.cmpi ne, %convert_element_type3A, %cond3A : i32
    scf.if %cond3A_215 {
      %mul3A_253 = arith.constant 128 : i32
      %mul3A_254 = arith.muli %sub3A_23, %mul3A_253 : i32
      %multiple_of3A = tpu.assume_multiple %mul3A_254, 128 : i32
      %dma_start3A_255 = arith.constant 0 : i32
      %dma_start3A_256 = tpu.memref_slice %arg3[%select_n3A, %multiple_of3A, %dma_start3A_255] : memref<8x1016x256xf32, #tpu.memory_space<hbm>> -> memref<1x128x256xf32, #tpu.memory_space<hbm>>
      %dma_start3A_257 = tpu.memref_squeeze %dma_start3A_256 : memref<1x128x256xf32, #tpu.memory_space<hbm>> -> memref<128x256xf32, #tpu.memory_space<hbm>>
      %dma_start3A_258 = arith.constant 0 : i32
      %dma_start3A_259 = tpu.memref_slice %arg3[%select_n3A, %multiple_of3A, %dma_start3A_258] : memref<8x1016x256xf32, #tpu.memory_space<hbm>> -> memref<1x128x256xf32, #tpu.memory_space<hbm>>
      %dma_start3A_260 = tpu.memref_squeeze %dma_start3A_259 : memref<1x128x256xf32, #tpu.memory_space<hbm>> -> memref<128x256xf32, #tpu.memory_space<hbm>>
      tpu.enqueue_dma source(%arg6 : memref<128x256xf32, #tpu.memory_space<vmem>>) target(%dma_start3A_260 : memref<128x256xf32, #tpu.memory_space<hbm>>) target_semaphore(%arg9 : memref<!tpu.dma_semaphore, #tpu.memory_space<semaphore_mem>>)
    } else {
    }
    %eq3A = arith.constant 7 : i32
    %eq3A_216 = arith.cmpi eq, %sub3A_23, %eq3A : i32
    %convert_element_type3A_217 = arith.extui %eq3A_216 : i1 to i32
    %cond3A_218 = arith.constant 0 : i32
    %cond3A_219 = arith.cmpi ne, %convert_element_type3A_217, %cond3A_218 : i32
    scf.if %cond3A_219 {
      %dma_start3A_253 = arith.constant 0 : i32
      %dma_start3A_254 = arith.constant 0 : i32
      %dma_start3A_255 = tpu.memref_slice %arg6[%dma_start3A_253, %dma_start3A_254] : memref<128x256xf32, #tpu.memory_space<vmem>> -> memref<120x256xf32, #tpu.memory_space<vmem>>
      %dma_start3A_256 = arith.constant 896 : i32
      %dma_start3A_257 = arith.constant 0 : i32
      %dma_start3A_258 = tpu.memref_slice %arg3[%select_n3A, %dma_start3A_256, %dma_start3A_257] : memref<8x1016x256xf32, #tpu.memory_space<hbm>> -> memref<1x120x256xf32, #tpu.memory_space<hbm>>
      %dma_start3A_259 = tpu.memref_squeeze %dma_start3A_258 : memref<1x120x256xf32, #tpu.memory_space<hbm>> -> memref<120x256xf32, #tpu.memory_space<hbm>>
      %dma_start3A_260 = arith.constant 896 : i32
      %dma_start3A_261 = arith.constant 0 : i32
      %dma_start3A_262 = tpu.memref_slice %arg3[%select_n3A, %dma_start3A_260, %dma_start3A_261] : memref<8x1016x256xf32, #tpu.memory_space<hbm>> -> memref<1x120x256xf32, #tpu.memory_space<hbm>>
      %dma_start3A_263 = tpu.memref_squeeze %dma_start3A_262 : memref<1x120x256xf32, #tpu.memory_space<hbm>> -> memref<120x256xf32, #tpu.memory_space<hbm>>
      %dma_start3A_264 = arith.constant 0 : i32
      %dma_start3A_265 = arith.constant 0 : i32
      %dma_start3A_266 = tpu.memref_slice %arg6[%dma_start3A_264, %dma_start3A_265] : memref<128x256xf32, #tpu.memory_space<vmem>> -> memref<120x256xf32, #tpu.memory_space<vmem>>
      tpu.enqueue_dma source(%dma_start3A_266 : memref<120x256xf32, #tpu.memory_space<vmem>>) target(%dma_start3A_263 : memref<120x256xf32, #tpu.memory_space<hbm>>) target_semaphore(%arg9 : memref<!tpu.dma_semaphore, #tpu.memory_space<semaphore_mem>>)
    } else {
    }
    %dma_wait3A_220 = arith.constant 0 : i32
    %dma_wait3A_221 = arith.constant 0 : i32
    %dma_wait3A_222 = tpu.memref_slice %arg2[%dma_wait3A_220, %dma_wait3A_221] : memref<9999x256xf32, #tpu.memory_space<hbm>> -> memref<9999x256xf32, #tpu.memory_space<hbm>>
    tpu.wait_indirect_dma semaphore(%arg8 : memref<!tpu.dma_semaphore, #tpu.memory_space<semaphore_mem>>) src(%dma_wait3A_222 : memref<9999x256xf32, #tpu.memory_space<hbm>>) dst(%arg7 : memref<128x256xf32, #tpu.memory_space<vmem>>)
    %lt3A_223 = arith.constant 7 : i32
    %lt3A_224 = arith.cmpi slt, %sub3A_131, %lt3A_223 : i32
    %convert_element_type3A_225 = arith.extui %lt3A_224 : i1 to i32
    %cond3A_226 = arith.constant 0 : i32
    %cond3A_227 = arith.cmpi ne, %convert_element_type3A_225, %cond3A_226 : i32
    scf.if %cond3A_227 {
      %mul3A_253 = arith.constant 128 : i32
      %mul3A_254 = arith.muli %sub3A_131, %mul3A_253 : i32
      %multiple_of3A = tpu.assume_multiple %mul3A_254, 128 : i32
      %dma_start3A_255 = arith.constant 0 : i32
      %dma_start3A_256 = tpu.memref_slice %arg3[%select_n3A_128, %multiple_of3A, %dma_start3A_255] : memref<8x1016x256xf32, #tpu.memory_space<hbm>> -> memref<1x128x256xf32, #tpu.memory_space<hbm>>
      %dma_start3A_257 = tpu.memref_squeeze %dma_start3A_256 : memref<1x128x256xf32, #tpu.memory_space<hbm>> -> memref<128x256xf32, #tpu.memory_space<hbm>>
      %dma_start3A_258 = arith.constant 0 : i32
      %dma_start3A_259 = tpu.memref_slice %arg3[%select_n3A_128, %multiple_of3A, %dma_start3A_258] : memref<8x1016x256xf32, #tpu.memory_space<hbm>> -> memref<1x128x256xf32, #tpu.memory_space<hbm>>
      %dma_start3A_260 = tpu.memref_squeeze %dma_start3A_259 : memref<1x128x256xf32, #tpu.memory_space<hbm>> -> memref<128x256xf32, #tpu.memory_space<hbm>>
      tpu.enqueue_dma source(%arg7 : memref<128x256xf32, #tpu.memory_space<vmem>>) target(%dma_start3A_260 : memref<128x256xf32, #tpu.memory_space<hbm>>) target_semaphore(%arg9 : memref<!tpu.dma_semaphore, #tpu.memory_space<semaphore_mem>>)
    } else {
    }
    %eq3A_228 = arith.constant 7 : i32
    %eq3A_229 = arith.cmpi eq, %sub3A_131, %eq3A_228 : i32
    %convert_element_type3A_230 = arith.extui %eq3A_229 : i1 to i32
    %cond3A_231 = arith.constant 0 : i32
    %cond3A_232 = arith.cmpi ne, %convert_element_type3A_230, %cond3A_231 : i32
    scf.if %cond3A_232 {
      %dma_start3A_253 = arith.constant 0 : i32
      %dma_start3A_254 = arith.constant 0 : i32
      %dma_start3A_255 = tpu.memref_slice %arg7[%dma_start3A_253, %dma_start3A_254] : memref<128x256xf32, #tpu.memory_space<vmem>> -> memref<120x256xf32, #tpu.memory_space<vmem>>
      %dma_start3A_256 = arith.constant 896 : i32
      %dma_start3A_257 = arith.constant 0 : i32
      %dma_start3A_258 = tpu.memref_slice %arg3[%select_n3A_128, %dma_start3A_256, %dma_start3A_257] : memref<8x1016x256xf32, #tpu.memory_space<hbm>> -> memref<1x120x256xf32, #tpu.memory_space<hbm>>
      %dma_start3A_259 = tpu.memref_squeeze %dma_start3A_258 : memref<1x120x256xf32, #tpu.memory_space<hbm>> -> memref<120x256xf32, #tpu.memory_space<hbm>>
      %dma_start3A_260 = arith.constant 896 : i32
      %dma_start3A_261 = arith.constant 0 : i32
      %dma_start3A_262 = tpu.memref_slice %arg3[%select_n3A_128, %dma_start3A_260, %dma_start3A_261] : memref<8x1016x256xf32, #tpu.memory_space<hbm>> -> memref<1x120x256xf32, #tpu.memory_space<hbm>>
      %dma_start3A_263 = tpu.memref_squeeze %dma_start3A_262 : memref<1x120x256xf32, #tpu.memory_space<hbm>> -> memref<120x256xf32, #tpu.memory_space<hbm>>
      %dma_start3A_264 = arith.constant 0 : i32
      %dma_start3A_265 = arith.constant 0 : i32
      %dma_start3A_266 = tpu.memref_slice %arg7[%dma_start3A_264, %dma_start3A_265] : memref<128x256xf32, #tpu.memory_space<vmem>> -> memref<120x256xf32, #tpu.memory_space<vmem>>
      tpu.enqueue_dma source(%dma_start3A_266 : memref<120x256xf32, #tpu.memory_space<vmem>>) target(%dma_start3A_263 : memref<120x256xf32, #tpu.memory_space<hbm>>) target_semaphore(%arg9 : memref<!tpu.dma_semaphore, #tpu.memory_space<semaphore_mem>>)
    } else {
    }
    %lt3A_233 = arith.constant 7 : i32
    %lt3A_234 = arith.cmpi slt, %sub3A_23, %lt3A_233 : i32
    %convert_element_type3A_235 = arith.extui %lt3A_234 : i1 to i32
    %cond3A_236 = arith.constant 0 : i32
    %cond3A_237 = arith.cmpi ne, %convert_element_type3A_235, %cond3A_236 : i32
    scf.if %cond3A_237 {
      %mul3A_253 = arith.constant 128 : i32
      %mul3A_254 = arith.muli %sub3A_23, %mul3A_253 : i32
      %multiple_of3A = tpu.assume_multiple %mul3A_254, 128 : i32
      %dma_wait3A_255 = arith.constant 0 : i32
      %dma_wait3A_256 = tpu.memref_slice %arg3[%select_n3A, %multiple_of3A, %dma_wait3A_255] : memref<8x1016x256xf32, #tpu.memory_space<hbm>> -> memref<1x128x256xf32, #tpu.memory_space<hbm>>
      %dma_wait3A_257 = tpu.memref_squeeze %dma_wait3A_256 : memref<1x128x256xf32, #tpu.memory_space<hbm>> -> memref<128x256xf32, #tpu.memory_space<hbm>>
      %dma_wait3A_258 = arith.constant 0 : i32
      %dma_wait3A_259 = tpu.memref_slice %arg3[%select_n3A, %multiple_of3A, %dma_wait3A_258] : memref<8x1016x256xf32, #tpu.memory_space<hbm>> -> memref<1x128x256xf32, #tpu.memory_space<hbm>>
      %dma_wait3A_260 = tpu.memref_squeeze %dma_wait3A_259 : memref<1x128x256xf32, #tpu.memory_space<hbm>> -> memref<128x256xf32, #tpu.memory_space<hbm>>
      tpu.wait_dma2 semaphore(%arg9 : memref<!tpu.dma_semaphore, #tpu.memory_space<semaphore_mem>>) src(%arg6 : memref<128x256xf32, #tpu.memory_space<vmem>>) dst(%dma_wait3A_260 : memref<128x256xf32, #tpu.memory_space<hbm>>)
    } else {
    }
    %eq3A_238 = arith.constant 7 : i32
    %eq3A_239 = arith.cmpi eq, %sub3A_23, %eq3A_238 : i32
    %convert_element_type3A_240 = arith.extui %eq3A_239 : i1 to i32
    %cond3A_241 = arith.constant 0 : i32
    %cond3A_242 = arith.cmpi ne, %convert_element_type3A_240, %cond3A_241 : i32
    scf.if %cond3A_242 {
      %dma_wait3A_253 = arith.constant 0 : i32
      %dma_wait3A_254 = arith.constant 0 : i32
      %dma_wait3A_255 = tpu.memref_slice %arg6[%dma_wait3A_253, %dma_wait3A_254] : memref<128x256xf32, #tpu.memory_space<vmem>> -> memref<120x256xf32, #tpu.memory_space<vmem>>
      %dma_wait3A_256 = arith.constant 896 : i32
      %dma_wait3A_257 = arith.constant 0 : i32
      %dma_wait3A_258 = tpu.memref_slice %arg3[%select_n3A, %dma_wait3A_256, %dma_wait3A_257] : memref<8x1016x256xf32, #tpu.memory_space<hbm>> -> memref<1x120x256xf32, #tpu.memory_space<hbm>>
      %dma_wait3A_259 = tpu.memref_squeeze %dma_wait3A_258 : memref<1x120x256xf32, #tpu.memory_space<hbm>> -> memref<120x256xf32, #tpu.memory_space<hbm>>
      %dma_wait3A_260 = arith.constant 896 : i32
      %dma_wait3A_261 = arith.constant 0 : i32
      %dma_wait3A_262 = tpu.memref_slice %arg3[%select_n3A, %dma_wait3A_260, %dma_wait3A_261] : memref<8x1016x256xf32, #tpu.memory_space<hbm>> -> memref<1x120x256xf32, #tpu.memory_space<hbm>>
      %dma_wait3A_263 = tpu.memref_squeeze %dma_wait3A_262 : memref<1x120x256xf32, #tpu.memory_space<hbm>> -> memref<120x256xf32, #tpu.memory_space<hbm>>
      %dma_wait3A_264 = arith.constant 0 : i32
      %dma_wait3A_265 = arith.constant 0 : i32
      %dma_wait3A_266 = tpu.memref_slice %arg6[%dma_wait3A_264, %dma_wait3A_265] : memref<128x256xf32, #tpu.memory_space<vmem>> -> memref<120x256xf32, #tpu.memory_space<vmem>>
      tpu.wait_dma2 semaphore(%arg9 : memref<!tpu.dma_semaphore, #tpu.memory_space<semaphore_mem>>) src(%dma_wait3A_266 : memref<120x256xf32, #tpu.memory_space<vmem>>) dst(%dma_wait3A_263 : memref<120x256xf32, #tpu.memory_space<hbm>>)
    } else {
    }
    %lt3A_243 = arith.constant 7 : i32
    %lt3A_244 = arith.cmpi slt, %sub3A_131, %lt3A_243 : i32
    %convert_element_type3A_245 = arith.extui %lt3A_244 : i1 to i32
    %cond3A_246 = arith.constant 0 : i32
    %cond3A_247 = arith.cmpi ne, %convert_element_type3A_245, %cond3A_246 : i32
    scf.if %cond3A_247 {
      %mul3A_253 = arith.constant 128 : i32
      %mul3A_254 = arith.muli %sub3A_131, %mul3A_253 : i32
      %multiple_of3A = tpu.assume_multiple %mul3A_254, 128 : i32
      %dma_wait3A_255 = arith.constant 0 : i32
      %dma_wait3A_256 = tpu.memref_slice %arg3[%select_n3A_128, %multiple_of3A, %dma_wait3A_255] : memref<8x1016x256xf32, #tpu.memory_space<hbm>> -> memref<1x128x256xf32, #tpu.memory_space<hbm>>
      %dma_wait3A_257 = tpu.memref_squeeze %dma_wait3A_256 : memref<1x128x256xf32, #tpu.memory_space<hbm>> -> memref<128x256xf32, #tpu.memory_space<hbm>>
      %dma_wait3A_258 = arith.constant 0 : i32
      %dma_wait3A_259 = tpu.memref_slice %arg3[%select_n3A_128, %multiple_of3A, %dma_wait3A_258] : memref<8x1016x256xf32, #tpu.memory_space<hbm>> -> memref<1x128x256xf32, #tpu.memory_space<hbm>>
      %dma_wait3A_260 = tpu.memref_squeeze %dma_wait3A_259 : memref<1x128x256xf32, #tpu.memory_space<hbm>> -> memref<128x256xf32, #tpu.memory_space<hbm>>
      tpu.wait_dma2 semaphore(%arg9 : memref<!tpu.dma_semaphore, #tpu.memory_space<semaphore_mem>>) src(%arg7 : memref<128x256xf32, #tpu.memory_space<vmem>>) dst(%dma_wait3A_260 : memref<128x256xf32, #tpu.memory_space<hbm>>)
    } else {
    }
    %eq3A_248 = arith.constant 7 : i32
    %eq3A_249 = arith.cmpi eq, %sub3A_131, %eq3A_248 : i32
    %convert_element_type3A_250 = arith.extui %eq3A_249 : i1 to i32
    %cond3A_251 = arith.constant 0 : i32
    %cond3A_252 = arith.cmpi ne, %convert_element_type3A_250, %cond3A_251 : i32
    scf.if %cond3A_252 {
      %dma_wait3A_253 = arith.constant 0 : i32
      %dma_wait3A_254 = arith.constant 0 : i32
      %dma_wait3A_255 = tpu.memref_slice %arg7[%dma_wait3A_253, %dma_wait3A_254] : memref<128x256xf32, #tpu.memory_space<vmem>> -> memref<120x256xf32, #tpu.memory_space<vmem>>
      %dma_wait3A_256 = arith.constant 896 : i32
      %dma_wait3A_257 = arith.constant 0 : i32
      %dma_wait3A_258 = tpu.memref_slice %arg3[%select_n3A_128, %dma_wait3A_256, %dma_wait3A_257] : memref<8x1016x256xf32, #tpu.memory_space<hbm>> -> memref<1x120x256xf32, #tpu.memory_space<hbm>>
      %dma_wait3A_259 = tpu.memref_squeeze %dma_wait3A_258 : memref<1x120x256xf32, #tpu.memory_space<hbm>> -> memref<120x256xf32, #tpu.memory_space<hbm>>
      %dma_wait3A_260 = arith.constant 896 : i32
      %dma_wait3A_261 = arith.constant 0 : i32
      %dma_wait3A_262 = tpu.memref_slice %arg3[%select_n3A_128, %dma_wait3A_260, %dma_wait3A_261] : memref<8x1016x256xf32, #tpu.memory_space<hbm>> -> memref<1x120x256xf32, #tpu.memory_space<hbm>>
      %dma_wait3A_263 = tpu.memref_squeeze %dma_wait3A_262 : memref<1x120x256xf32, #tpu.memory_space<hbm>> -> memref<120x256xf32, #tpu.memory_space<hbm>>
      %dma_wait3A_264 = arith.constant 0 : i32
      %dma_wait3A_265 = arith.constant 0 : i32
      %dma_wait3A_266 = tpu.memref_slice %arg7[%dma_wait3A_264, %dma_wait3A_265] : memref<128x256xf32, #tpu.memory_space<vmem>> -> memref<120x256xf32, #tpu.memory_space<vmem>>
      tpu.wait_dma2 semaphore(%arg9 : memref<!tpu.dma_semaphore, #tpu.memory_space<semaphore_mem>>) src(%dma_wait3A_266 : memref<120x256xf32, #tpu.memory_space<vmem>>) dst(%dma_wait3A_263 : memref<120x256xf32, #tpu.memory_space<hbm>>)
    } else {
    }
    return
  }
}

module attributes {stable_mosaic.version = 14 : i64} {
  func.func @body(%arg0: i32, %arg1: memref<8x1016x256xf32, #tpu.memory_space<vmem>>, %arg2: memref<8x512x256xf32, #tpu.memory_space<vmem>>) attributes {dimension_semantics = [#tpu.dimension_semantics<arbitrary>], iteration_bounds = array<i64: 64>, scalar_prefetch = 0 : i64, scratch_operands = 0 : i64, tpu.core_type = #tpu.core_type<tc>, window_params = [{pipeline_mode = #tpu.pipeline_mode<synchronous>, transform_indices = @transform_0, window_bounds = array<i64: 8, 1016, 256>}, {transform_indices = @transform_1, window_bounds = array<i64: 8, 512, 256>}]} {
    %mul3A = arith.constant 8 : i32
    %mul3A_0 = arith.muli %mul3A, %arg0 : i32
    %sub3A = arith.constant 504 : i32
    %sub3A_1 = arith.subi %sub3A, %mul3A_0 : i32
    %sub3A_2 = arith.constant 0 : i32
    %sub3A_3 = arith.subi %sub3A_1, %sub3A_2 : i32
    %multiple_of3A = tpu.assume_multiple %sub3A_3, 8 : i32
    %get3A = arith.constant 7 : index
    %get3A_4 = arith.index_cast %multiple_of3A : i32 to index
    %get3A_5 = arith.constant 0 : index
    %get3A_6 = vector.load %arg1[%get3A, %get3A_4, %get3A_5] : memref<8x1016x256xf32, #tpu.memory_space<vmem>>, vector<1x512x256xf32>
    %get3A_7 = vector.shape_cast %get3A_6 : vector<1x512x256xf32> to vector<512x256xf32>
    %swap3A = arith.constant 0 : index
    %swap3A_8 = arith.constant 0 : index
    %swap3A_9 = arith.constant 0 : index
    %swap3A_10 = vector.load %arg2[%swap3A, %swap3A_8, %swap3A_9] : memref<8x512x256xf32, #tpu.memory_space<vmem>>, vector<1x512x256xf32>
    %swap3A_11 = vector.shape_cast %swap3A_10 : vector<1x512x256xf32> to vector<512x256xf32>
    %swap3A_12 = vector.shape_cast %get3A_7 : vector<512x256xf32> to vector<1x512x256xf32>
    tpu.vector_store %arg2[%swap3A, %swap3A_8, %swap3A_9], %swap3A_12 {strides = array<i32>} : memref<8x512x256xf32, #tpu.memory_space<vmem>>, vector<1x512x256xf32>,
    %mul3A_13 = arith.constant 8 : i32
    %mul3A_14 = arith.muli %mul3A_13, %arg0 : i32
    %sub3A_15 = arith.constant 504 : i32
    %sub3A_16 = arith.subi %sub3A_15, %mul3A_14 : i32
    %sub3A_17 = arith.constant 0 : i32
    %sub3A_18 = arith.subi %sub3A_16, %sub3A_17 : i32
    %multiple_of3A_19 = tpu.assume_multiple %sub3A_18, 8 : i32
    %get3A_20 = arith.constant 6 : index
    %get3A_21 = arith.index_cast %multiple_of3A_19 : i32 to index
    %get3A_22 = arith.constant 0 : index
    %get3A_23 = vector.load %arg1[%get3A_20, %get3A_21, %get3A_22] : memref<8x1016x256xf32, #tpu.memory_space<vmem>>, vector<1x512x256xf32>
    %get3A_24 = vector.shape_cast %get3A_23 : vector<1x512x256xf32> to vector<512x256xf32>
    %swap3A_25 = arith.constant 1 : index
    %swap3A_26 = arith.constant 0 : index
    %swap3A_27 = arith.constant 0 : index
    %swap3A_28 = vector.load %arg2[%swap3A_25, %swap3A_26, %swap3A_27] : memref<8x512x256xf32, #tpu.memory_space<vmem>>, vector<1x512x256xf32>
    %swap3A_29 = vector.shape_cast %swap3A_28 : vector<1x512x256xf32> to vector<512x256xf32>
    %swap3A_30 = vector.shape_cast %get3A_24 : vector<512x256xf32> to vector<1x512x256xf32>
    tpu.vector_store %arg2[%swap3A_25, %swap3A_26, %swap3A_27], %swap3A_30 {strides = array<i32>} : memref<8x512x256xf32, #tpu.memory_space<vmem>>, vector<1x512x256xf32>,
    %mul3A_31 = arith.constant 8 : i32
    %mul3A_32 = arith.muli %mul3A_31, %arg0 : i32
    %sub3A_33 = arith.constant 504 : i32
    %sub3A_34 = arith.subi %sub3A_33, %mul3A_32 : i32
    %sub3A_35 = arith.constant 0 : i32
    %sub3A_36 = arith.subi %sub3A_34, %sub3A_35 : i32
    %multiple_of3A_37 = tpu.assume_multiple %sub3A_36, 8 : i32
    %get3A_38 = arith.constant 5 : index
    %get3A_39 = arith.index_cast %multiple_of3A_37 : i32 to index
    %get3A_40 = arith.constant 0 : index
    %get3A_41 = vector.load %arg1[%get3A_38, %get3A_39, %get3A_40] : memref<8x1016x256xf32, #tpu.memory_space<vmem>>, vector<1x512x256xf32>
    %get3A_42 = vector.shape_cast %get3A_41 : vector<1x512x256xf32> to vector<512x256xf32>
    %swap3A_43 = arith.constant 2 : index
    %swap3A_44 = arith.constant 0 : index
    %swap3A_45 = arith.constant 0 : index
    %swap3A_46 = vector.load %arg2[%swap3A_43, %swap3A_44, %swap3A_45] : memref<8x512x256xf32, #tpu.memory_space<vmem>>, vector<1x512x256xf32>
    %swap3A_47 = vector.shape_cast %swap3A_46 : vector<1x512x256xf32> to vector<512x256xf32>
    %swap3A_48 = vector.shape_cast %get3A_42 : vector<512x256xf32> to vector<1x512x256xf32>
    tpu.vector_store %arg2[%swap3A_43, %swap3A_44, %swap3A_45], %swap3A_48 {strides = array<i32>} : memref<8x512x256xf32, #tpu.memory_space<vmem>>, vector<1x512x256xf32>,
    %mul3A_49 = arith.constant 8 : i32
    %mul3A_50 = arith.muli %mul3A_49, %arg0 : i32
    %sub3A_51 = arith.constant 504 : i32
    %sub3A_52 = arith.subi %sub3A_51, %mul3A_50 : i32
    %sub3A_53 = arith.constant 0 : i32
    %sub3A_54 = arith.subi %sub3A_52, %sub3A_53 : i32
    %multiple_of3A_55 = tpu.assume_multiple %sub3A_54, 8 : i32
    %get3A_56 = arith.constant 4 : index
    %get3A_57 = arith.index_cast %multiple_of3A_55 : i32 to index
    %get3A_58 = arith.constant 0 : index
    %get3A_59 = vector.load %arg1[%get3A_56, %get3A_57, %get3A_58] : memref<8x1016x256xf32, #tpu.memory_space<vmem>>, vector<1x512x256xf32>
    %get3A_60 = vector.shape_cast %get3A_59 : vector<1x512x256xf32> to vector<512x256xf32>
    %swap3A_61 = arith.constant 3 : index
    %swap3A_62 = arith.constant 0 : index
    %swap3A_63 = arith.constant 0 : index
    %swap3A_64 = vector.load %arg2[%swap3A_61, %swap3A_62, %swap3A_63] : memref<8x512x256xf32, #tpu.memory_space<vmem>>, vector<1x512x256xf32>
    %swap3A_65 = vector.shape_cast %swap3A_64 : vector<1x512x256xf32> to vector<512x256xf32>
    %swap3A_66 = vector.shape_cast %get3A_60 : vector<512x256xf32> to vector<1x512x256xf32>
    tpu.vector_store %arg2[%swap3A_61, %swap3A_62, %swap3A_63], %swap3A_66 {strides = array<i32>} : memref<8x512x256xf32, #tpu.memory_space<vmem>>, vector<1x512x256xf32>,
    %mul3A_67 = arith.constant 8 : i32
    %mul3A_68 = arith.muli %mul3A_67, %arg0 : i32
    %sub3A_69 = arith.constant 504 : i32
    %sub3A_70 = arith.subi %sub3A_69, %mul3A_68 : i32
    %sub3A_71 = arith.constant 0 : i32
    %sub3A_72 = arith.subi %sub3A_70, %sub3A_71 : i32
    %multiple_of3A_73 = tpu.assume_multiple %sub3A_72, 8 : i32
    %get3A_74 = arith.constant 3 : index
    %get3A_75 = arith.index_cast %multiple_of3A_73 : i32 to index
    %get3A_76 = arith.constant 0 : index
    %get3A_77 = vector.load %arg1[%get3A_74, %get3A_75, %get3A_76] : memref<8x1016x256xf32, #tpu.memory_space<vmem>>, vector<1x512x256xf32>
    %get3A_78 = vector.shape_cast %get3A_77 : vector<1x512x256xf32> to vector<512x256xf32>
    %swap3A_79 = arith.constant 4 : index
    %swap3A_80 = arith.constant 0 : index
    %swap3A_81 = arith.constant 0 : index
    %swap3A_82 = vector.load %arg2[%swap3A_79, %swap3A_80, %swap3A_81] : memref<8x512x256xf32, #tpu.memory_space<vmem>>, vector<1x512x256xf32>
    %swap3A_83 = vector.shape_cast %swap3A_82 : vector<1x512x256xf32> to vector<512x256xf32>
    %swap3A_84 = vector.shape_cast %get3A_78 : vector<512x256xf32> to vector<1x512x256xf32>
    tpu.vector_store %arg2[%swap3A_79, %swap3A_80, %swap3A_81], %swap3A_84 {strides = array<i32>} : memref<8x512x256xf32, #tpu.memory_space<vmem>>, vector<1x512x256xf32>,
    %mul3A_85 = arith.constant 8 : i32
    %mul3A_86 = arith.muli %mul3A_85, %arg0 : i32
    %sub3A_87 = arith.constant 504 : i32
    %sub3A_88 = arith.subi %sub3A_87, %mul3A_86 : i32
    %sub3A_89 = arith.constant 0 : i32
    %sub3A_90 = arith.subi %sub3A_88, %sub3A_89 : i32
    %multiple_of3A_91 = tpu.assume_multiple %sub3A_90, 8 : i32
    %get3A_92 = arith.constant 2 : index
    %get3A_93 = arith.index_cast %multiple_of3A_91 : i32 to index
    %get3A_94 = arith.constant 0 : index
    %get3A_95 = vector.load %arg1[%get3A_92, %get3A_93, %get3A_94] : memref<8x1016x256xf32, #tpu.memory_space<vmem>>, vector<1x512x256xf32>
    %get3A_96 = vector.shape_cast %get3A_95 : vector<1x512x256xf32> to vector<512x256xf32>
    %swap3A_97 = arith.constant 5 : index
    %swap3A_98 = arith.constant 0 : index
    %swap3A_99 = arith.constant 0 : index
    %swap3A_100 = vector.load %arg2[%swap3A_97, %swap3A_98, %swap3A_99] : memref<8x512x256xf32, #tpu.memory_space<vmem>>, vector<1x512x256xf32>
    %swap3A_101 = vector.shape_cast %swap3A_100 : vector<1x512x256xf32> to vector<512x256xf32>
    %swap3A_102 = vector.shape_cast %get3A_96 : vector<512x256xf32> to vector<1x512x256xf32>
    tpu.vector_store %arg2[%swap3A_97, %swap3A_98, %swap3A_99], %swap3A_102 {strides = array<i32>} : memref<8x512x256xf32, #tpu.memory_space<vmem>>, vector<1x512x256xf32>,
    %mul3A_103 = arith.constant 8 : i32
    %mul3A_104 = arith.muli %mul3A_103, %arg0 : i32
    %sub3A_105 = arith.constant 504 : i32
    %sub3A_106 = arith.subi %sub3A_105, %mul3A_104 : i32
    %sub3A_107 = arith.constant 0 : i32
    %sub3A_108 = arith.subi %sub3A_106, %sub3A_107 : i32
    %multiple_of3A_109 = tpu.assume_multiple %sub3A_108, 8 : i32
    %get3A_110 = arith.constant 1 : index
    %get3A_111 = arith.index_cast %multiple_of3A_109 : i32 to index
    %get3A_112 = arith.constant 0 : index
    %get3A_113 = vector.load %arg1[%get3A_110, %get3A_111, %get3A_112] : memref<8x1016x256xf32, #tpu.memory_space<vmem>>, vector<1x512x256xf32>
    %get3A_114 = vector.shape_cast %get3A_113 : vector<1x512x256xf32> to vector<512x256xf32>
    %swap3A_115 = arith.constant 6 : index
    %swap3A_116 = arith.constant 0 : index
    %swap3A_117 = arith.constant 0 : index
    %swap3A_118 = vector.load %arg2[%swap3A_115, %swap3A_116, %swap3A_117] : memref<8x512x256xf32, #tpu.memory_space<vmem>>, vector<1x512x256xf32>
    %swap3A_119 = vector.shape_cast %swap3A_118 : vector<1x512x256xf32> to vector<512x256xf32>
    %swap3A_120 = vector.shape_cast %get3A_114 : vector<512x256xf32> to vector<1x512x256xf32>
    tpu.vector_store %arg2[%swap3A_115, %swap3A_116, %swap3A_117], %swap3A_120 {strides = array<i32>} : memref<8x512x256xf32, #tpu.memory_space<vmem>>, vector<1x512x256xf32>,
    %mul3A_121 = arith.constant 8 : i32
    %mul3A_122 = arith.muli %mul3A_121, %arg0 : i32
    %sub3A_123 = arith.constant 504 : i32
    %sub3A_124 = arith.subi %sub3A_123, %mul3A_122 : i32
    %sub3A_125 = arith.constant 0 : i32
    %sub3A_126 = arith.subi %sub3A_124, %sub3A_125 : i32
    %multiple_of3A_127 = tpu.assume_multiple %sub3A_126, 8 : i32
    %get3A_128 = arith.constant 0 : index
    %get3A_129 = arith.index_cast %multiple_of3A_127 : i32 to index
    %get3A_130 = arith.constant 0 : index
    %get3A_131 = vector.load %arg1[%get3A_128, %get3A_129, %get3A_130] : memref<8x1016x256xf32, #tpu.memory_space<vmem>>, vector<1x512x256xf32>
    %get3A_132 = vector.shape_cast %get3A_131 : vector<1x512x256xf32> to vector<512x256xf32>
    %swap3A_133 = arith.constant 7 : index
    %swap3A_134 = arith.constant 0 : index
    %swap3A_135 = arith.constant 0 : index
    %swap3A_136 = vector.load %arg2[%swap3A_133, %swap3A_134, %swap3A_135] : memref<8x512x256xf32, #tpu.memory_space<vmem>>, vector<1x512x256xf32>
    %swap3A_137 = vector.shape_cast %swap3A_136 : vector<1x512x256xf32> to vector<512x256xf32>
    %swap3A_138 = vector.shape_cast %get3A_132 : vector<512x256xf32> to vector<1x512x256xf32>
    tpu.vector_store %arg2[%swap3A_133, %swap3A_134, %swap3A_135], %swap3A_138 {strides = array<i32>} : memref<8x512x256xf32, #tpu.memory_space<vmem>>, vector<1x512x256xf32>,
    return
  }
  func.func @transform_0(%arg0: i32) -> (i32, i32, i32) {
    %c0_i32 = arith.constant 0 : i32
    %c0_i32_0 = arith.constant 0 : i32
    %c0_i32_1 = arith.constant 0 : i32
    %c0_i32_2 = arith.constant 0 : i32
    return %c0_i32, %c0_i32_0, %c0_i32_1 : i32, i32, i32
  }
  func.func @transform_1(%arg0: i32) -> (i32, i32, i32) {
    %c0_i32 = arith.constant 0 : i32
    %c0_i32_0 = arith.constant 0 : i32
    %c0_i32_1 = arith.constant 0 : i32
    return %arg0, %c0_i32, %c0_i32_0 : i32, i32, i32
  }
}

</mosaic_0001>

<sc_bundles>
// kernel: kernel.4.cloned.1.call-start
scs
__scs_entry_jumppad:
0x0: {  	(pc) =	sbr.rel $0x88, $3  }
0x1: {  	(tag) =	ssettag $0x0;
	lr =	simm.s32 $0x1  }
0x2: {  	[smem:$0x3FA0] =	sst lr;
	_ =	strace $0xD0000000  }
0x3: {  	_ = 	snop  }
0x4: {  	_ = 	snop  }
0x5: {  	_ = 	snop  }
0x6: {  	_ = 	snop  }
0x7: {  	_ = 	snop  }
__scs_overlays_trampoline_lowered:
0x8: {  	[smem:$0x3FAF] =	sst s0  }
0x9: {  	[smem:$0x3FB0] =	sst s1  }
0xa: {  	[smem:$0x3FB1] =	sst s2  }
0xb: {  	[smem:$0x3FB2] =	sst s3  }
0xc: {  	[smem:$0x3FB3] =	sst s4  }
0xd: {  	[smem:$0x3FB4] =	sst s5  }
0xe: {  	[smem:$0x3FB5] =	sst s6  }
0xf: {  	[smem:$0x3FB6] =	sst s7  }
0x10: {  	[smem:$0x3FB7] =	sst s8  }
0x11: {  	[smem:$0x3FB8] =	sst s9;
	s0 =	simm.s32 @!p0 $0x0  }
0x12: {  	s1 =	sld [smem:$0x3F9E];
	s0 =	simm.s32 @p0 $0x1  }
0x13: {  	[smem:$0x3FB9] =	sst s0;
	s0 =	simm.s32 @!p1 $0x0  }
0x14: {  	s2 =	sld [smem:$0x3F9D];
	s0 =	simm.s32 @p1 $0x1  }
0x15: {  	[smem:$0x3FBA] =	sst s0;
	s0 =	simm.s32 @!p2 $0x0  }
0x16: {  	s3 =	sld [smem:$0x3FDB];
	s0 =	simm.s32 @p2 $0x1  }
0x17: {  	s4 =	simm.s32 $0x1BF5;
	[smem:$0x3FBC] =	sst s0  }
0x18: {  	s0 =	sld [smem:$0x3F9F];
	_ =	swait.ge [sflag:s4], $0x0  }
0x19: {  	s7 =	sld [smem:$0x3FA0]  }
0x1a: {  	s8 =	sadd.s32 $0xFFFFE003, lr  }
0x1b: {  	s9 =	sadd.s32 $0xFFFFFEF7, lr;
	s5 =	simm.s32 $0xFFFFFFFF;
	p2 =	slt.u32 s8, $0xFFFFF086  }
0x1c: {  	p1 =	slt.u32 s9, $0xF7A;
	s5 =	simm.s32 @!p2 $0x0  }
0x1d: {  	s5 =	simm.s32 @p1 $0x1;
	p0 =	seq.s32 s7, s2  }
0x1e: {  	s7 =	smul.u32 @!p0 $0xF7A, s2;
	p2 =	seq.s32 @!p0 s5, $0x0  }
0x1f: {  	s9 =	smul.u32 $0xF7A, s1;
	s8 =	simm.s32 @!p0 $0x1BF5;
	p2 =	por !p2, p0  }
0x20: {  	[sflag:s8] =	ssyncset.s32 @!p0 $0xFFFFF086;
	s6 =	sadd.s32 @!p0 s3, s7;
	s7 =	simm.s32 @!p0 $0x108  }
0x21: {  	s3 =	sadd.s32 s3, s9;
	s6 =	sadd.s32 @!p0 $0x88, s6;
	s7 =	simm.s32 @p2 $0x1082  }
0x22: {  	[simem:s7], [sflag:s8] =	dma.local @!p0 [hbm:s6], $0xF7A  }
0x23: {  	s9 =	sor.u32 $0xD0000000, s2;
	s6 =	simm.s32 $0x108;
	_ =	swait.ge @!p0 [sflag:s8], $0x0  }
0x24: {  	s3 =	sadd.s32 $0x88, s3;
	s6 =	simm.s32 @!p1 $0x1082;
	[sflag:s4] =	ssyncset.s32 $0xFFFFF086  }
0x25: {  	[simem:s6], [sflag:s4] =	dma.local [hbm:s3], $0xF7A  }
0x26: {  	[smem:$0x3FA0] =	sst s1;
	(tag) =	ssettag s2;
	_ =	strace s9  }
0x27: {  	s1 =	sld [smem:$0x3FB0]  }
0x28: {  	s2 =	sld [smem:$0x3FB1]  }
0x29: {  	s4 =	sld [smem:$0x3FB3]  }
0x2a: {  	p0 =	seq.s32 s5, $0x0;
	s5 =	sld [smem:$0x3FB4]  }
0x2b: {  	s6 =	sld [smem:$0x3FB5]  }
0x2c: {  	s7 =	sld [smem:$0x3FB6]  }
0x2d: {  	s3 =	simm.s32 $0x108;
	s8 =	sld [smem:$0x3FB7]  }
0x2e: {  	s3 =	simm.s32 @!p0 $0x1082;
	s9 =	sld [smem:$0x3FB8]  }
0x2f: {  	lr =	sadd.s32 s0, s3;
	s0 =	sld [smem:$0x3FAF]  }
0x30: {  	s3 =	sld [smem:$0x3FB2]  }
0x31: {  	[smem:$0x3FBB] =	sst s10  }
0x32: {  	s10 =	sld [smem:$0x3FB9];
	_ =	sdelay $0x3  }
0x33: {  	p0 =	seq.s32 s10, $0x1;
	s10 =	sld [smem:$0x3FBB];
	_ =	sdelay $0x3  }
0x34: {  	[smem:$0x3FBB] =	sst s10  }
0x35: {  	s10 =	sld [smem:$0x3FBA];
	_ =	sdelay $0x3  }
0x36: {  	p1 =	seq.s32 s10, $0x1;
	s10 =	sld [smem:$0x3FBB];
	_ =	sdelay $0x3  }
0x37: {  	[smem:$0x3FBB] =	sst s10  }
0x38: {  	s10 =	sld [smem:$0x3FBC]  }
0x39: {  	_ = 	snop;
	(pc) =	sbr.ind lr, $3  }
0x3a: {  	_ = 	snop  }
0x3b: {  	_ = 	snop  }
0x3c: {  	p2 =	seq.s32 s10, $0x1;
	s10 =	sld [smem:$0x3FBB]  }
0x3d: {  	_ =	shalt  }
0x3e: {  	_ =	shalt  }
0x3f: {  	_ =	shalt  }
0x40: {  	_ =	shalt  }
0x41: {  	_ =	shalt  }
0x42: {  	_ =	shalt  }
0x43: {  	_ =	shalt  }
0x44: {  	_ =	shalt  }
0x45: {  	_ =	shalt  }
0x46: {  	_ =	shalt  }
0x47: {  	_ =	shalt  }
0x48: {  	_ =	shalt  }
0x49: {  	_ =	shalt  }
0x4a: {  	_ =	shalt  }
0x4b: {  	_ =	shalt  }
0x4c: {  	_ =	shalt  }
0x4d: {  	_ =	shalt  }
0x4e: {  	_ =	shalt  }
0x4f: {  	_ =	shalt  }
0x50: {  	_ =	shalt  }
0x51: {  	_ =	shalt  }
0x52: {  	_ =	shalt  }
0x53: {  	_ =	shalt  }
0x54: {  	_ =	shalt  }
0x55: {  	_ =	shalt  }
0x56: {  	_ =	shalt  }
0x57: {  	_ =	shalt  }
0x58: {  	_ =	shalt  }
0x59: {  	_ =	shalt  }
0x5a: {  	_ =	shalt  }
0x5b: {  	_ =	shalt  }
0x5c: {  	_ =	shalt  }
0x5d: {  	_ =	shalt  }
0x5e: {  	_ =	shalt  }
0x5f: {  	_ =	shalt  }
0x60: {  	_ =	shalt  }
0x61: {  	_ =	shalt  }
0x62: {  	_ =	shalt  }
0x63: {  	_ =	shalt  }
0x64: {  	_ =	shalt  }
0x65: {  	_ =	shalt  }
0x66: {  	_ =	shalt  }
0x67: {  	_ =	shalt  }
0x68: {  	_ =	shalt  }
0x69: {  	_ =	shalt  }
0x6a: {  	_ =	shalt  }
0x6b: {  	_ =	shalt  }
0x6c: {  	_ =	shalt  }
0x6d: {  	_ =	shalt  }
0x6e: {  	_ =	shalt  }
0x6f: {  	_ =	shalt  }
0x70: {  	_ =	shalt  }
0x71: {  	_ =	shalt  }
0x72: {  	_ =	shalt  }
0x73: {  	_ =	shalt  }
0x74: {  	_ =	shalt  }
0x75: {  	_ =	shalt  }
0x76: {  	_ =	shalt  }
0x77: {  	_ =	shalt  }
0x78: {  	_ =	shalt  }
0x79: {  	_ =	shalt  }
0x7a: {  	_ =	shalt  }
0x7b: {  	_ =	shalt  }
0x7c: {  	_ =	shalt  }
0x7d: {  	_ =	shalt  }
0x7e: {  	_ =	shalt  }
0x7f: {  	_ =	shalt  }
0x80: {  	_ =	shalt  }
0x81: {  	_ =	shalt  }
0x82: {  	_ =	shalt  }
0x83: {  	_ =	shalt  }
0x84: {  	_ =	shalt  }
0x85: {  	_ =	shalt  }
0x86: {  	_ =	shalt  }
0x87: {  	_ =	shalt  }
.Lfunc_end0:
.L_simem_size_0:
called_computation_lowered:
.L_overlay_start_0:
0x88: {  	s2 =	sld [smem:$0x3FD9]  }
0x89: {  	s3 =	sld [smem:$0x3FFE];
	_ =	sdelay $0x1  }
0x8a: {  	s1 =	srdreg.scid  }
0x8b: {  	s0 =	sand.u32 $0x1, s1  }
0x8c: {  	s17 =	sshll.u32 s0, $0xA;
	s2 =	sadd.s32 s3, s2  }
0x8d: {  	s2 =	sadd.s32 s2, s17  }
0x8e: {  	[smem:$0x3FC7] =	sst s2  }
0x8f: {  	_ = 	snop  }
0x90: {  	s2 =	sld [smem:$0x3FC9];
	(tm) =	ssettm $0x1  }
0x91: {  	s18 =	sld [smem:$0x3FFB];
	_ =	sdelay $0x3  }
0x92: {  	_ =	strace s18  }
0x93: {  	s3 =	sld [smem:$0x3FFC];
	_ =	sdelay $0x3  }
0x94: {  	_ =	strace s3  }
0x95: {  	s3 =	sld [smem:$0x3FFD];
	_ =	sdelay $0x3  }
0x96: {  	_ =	strace s3  }
0x97: {  	_ =	strace $0x8FFFFFFF  }
0x98: {  	s19 =	sld [smem:$0x3FDB];
	_ =	sdelay $0x1  }
0x99: {  	s4 =	simm.s32 $_scs_section_size  }
0x9a: {  	s5 =	simm.s32 $_size__tile_overlayer_lowered;
	s6 =	simm.s32 $_tile_overlayer_lowered  }
0x9b: {  	s22 =	simm.s32 $0x1BFF;
	s21 =	sshll.u32 s6, $0x1;
	s3 =	sadd.s32 s4, s19  }
0x9c: {  	s7 =	simm.s32 $0x0;
	s20 =	sshll.u32 s5, $0x1;
	s5 =	sadd.s32 s21, s3  }
0x9d: {  	[timem:s7], [sflag:s22] =	dma.local [hbm:s5], s20  }
0x9e: {  	_ =	swait.ge [sflag:s22], s20  }
0x9f: {  	s4 =	ssub.s32 $0x0, s20;
	[sflag:s22] =	ssyncset.done $0x0  }
0xa0: {  	[sflag:s22] =	ssyncadd.s32 s4;
	_ =	sdelay $0x1  }
0xa1: {  	s23 =	simm.s32 $0x1B8B  }
0xa2: {  	_ =	swait.ge [sflag:s23], $0x1  }
0xa3: {  	[sflag:s23] =	ssyncset.done $0x0  }
0xa4: {  	s25 =	simm.s32 $0x1B8E;
	s24 =	sld [smem:$0x3FFE];
	[sflag:s23] =	ssyncadd.s32 $0xFFFFFFFF  }
0xa5: {  	s26 =	simm.s32 $execute0_lowered;
	[smem:$0x3FD2] =	sst s25  }
0xa6: {  	s5 =	sshll.u32 s26, $0x1;
	_ =	strace $0x80000046;
	[dreg:$0x1] =	wrdreg $0xFFFFFFFF  }
0xa7: {  	s28 =	simm.s32 $_size_execute0_lowered;
	s3 =	sadd.s32 s3, s5;
	[dreg:$0x0] =	wrdreg $0x0  }
0xa8: {  	s5 =	sshll.u32 s28, $0x1;
	[dreg:$0x2] =	wrdreg s3  }
0xa9: {  	[dreg:$0x3] =	wrdreg s5  }
0xaa: {  	[dreg:$0x4] =	wrdreg $0xC0  }
0xab: {  	_ =	task [dreg:s7], $0x5FFFF  }
0xac: {  	[dreg:$0x1] =	wrdreg $0xFFFFFFFF  }
0xad: {  	[dreg:$0x0] =	wrdreg $0x60  }
0xae: {  	[dreg:$0x2] =	wrdreg s2  }
0xaf: {  	[dreg:$0x3] =	wrdreg s24  }
0xb0: {  	[dreg:$0x4] =	wrdreg $0x9  }
0xb1: {  	_ =	task.clear_ibuf [dreg:s7], $0x5FFFF;
	_ =	strace $0x90000046  }
0xb2: {  	s29 =	simm.s32 $0x9;
	_ =	strace $0x80000048  }
0xb3: {  	_ =	swait.ge [sflag:s29], $0x1  }
0xb4: {  	[sflag:s29] =	ssyncadd.s32 $0xFFFFFFFF  }
0xb5: {  	_ =	strace $0x90000048  }
0xb6: {  	_ =	sfence  }
0xb7: {  	s30 =	sld [smem:$0x0];
	_ =	sdelay $0x2  }
0xb8: {  	s31 =	sshll.u32 s1, $0xD;
	s1 =	sshrl.u32 s1, $0x2  }
0xb9: {  	s3 =	sand.u32 $0x4000, s31;
	s1 =	sadd.s32 s1, s30  }
0xba: {  	s0 =	sor.u32 s3, s0;
	s1 =	sshll.u32 s1, $0x11  }
0xbb: {  	s0 =	sor.u32 s1, s0  }
0xbc: {  	s0 =	sadd.s32 $0x8F2B, s0  }
0xbd: {  	[sflag:s0] =	ssyncadd.remote.s32 $0x1  }
0xbe: {  	_ =	sfence.sel $0xFFFF  }
0xbf: {  	[dreg:$0x0] =	wrdreg $0xFFFFFFFF;
	(pc) =	sbr.abs _section_cstart, $3  }
0xc0: {  	[dreg:$0x1] =	wrdreg $0xFFFFFFFF  }
0xc1: {  	_ =	task.clear_ibuf [dreg:s7], $0x2FFFF;
	_ =	strace $0x9FFFFFFF  }
0xc2: {  	(tm) =	ssettm $0x7FFFFFFF  }
0xc3: {  	_ =	shalt  }
tec
execute0_lowered:
.L_overlay_start_1:
0x0: {  	(tag) =	ssettag $0x1  }
0x1: {  	s1 =	rddreg [dreg:$0x0]  }
0x2: {  	s4 =	rddreg [dreg:$0x1]  }
0x3: {  	s0 =	rddreg [dreg:$0x2]  }
0x4: {  	s5 =	srdreg.scid;
	s3 =	simm.s32 $0x0;
	s2 =	stileid.u32  }
0x5: {  	s18 =	simm.s32 $0x900;
	s19 =	simm.s32 $0x1100;
	[smem:$0x7FF] =	sst s3  }
0x6: {  	s20 =	simm.s32 $0x1900;
	_ =	strace $0x80000047;
	[dreg:$0x6] =	wrdreg s18  }
0x7: {  	s21 =	simm.s32 $0x2100;
	s22 =	simm.s32 $0x2900;
	[dreg:$0x7] =	wrdreg s19  }
0x8: {  	s23 =	simm.s32 $0x3100;
	s24 =	simm.s32 $0x3900;
	[dreg:$0x8] =	wrdreg s20  }
0x9: {  	s26 =	simm.s32 $0x4100;
	s5 =	sand.u32 $0x1, s5;
	[dreg:$0x9] =	wrdreg s21  }
0xa: {  	s7 =	sshll.u32 s2, $0x2;
	s9 =	sshrl.u32 s2, $0x1;
	[dreg:$0xa] =	wrdreg s22  }
0xb: {  	s4 =	sadd.s32 $0x400, s4;
	s6 =	sshll.u32 s5, $0x1;
	[dreg:$0xb] =	wrdreg s23  }
0xc: {  	s5 =	ssub.s32 $0x2, s5;
	s11 =	sor.u32 $0x1188, s9;
	[dreg:$0xc] =	wrdreg s24  }
0xd: {  	s9 =	smul.u32 $0x3F800, s9;
	s17 =	sand.u32 $0x38, s7;
	[dreg:$0xd] =	wrdreg s26  }
0xe: {  	s21 =	simm.s32 $0xE100;
	s8 =	sor.u32 s6, s7;
	s28 =	sshrl.u32 s5, $0x1  }
0xf: {  	s22 =	simm.s32 $0xE900;
	s10 =	sand.u32 $0x6, s8;
	s13 =	ssub.s32 s5, s28  }
0x10: {  	s8 =	sor.u32 $0x1, s8;
	s30 =	sshrl.u32 s9, $0x3;
	s28 =	simm.s32 $0x4900  }
0x11: {  	s12 =	sshll.u32 s10, $0x7;
	s10 =	sshll.u32 s10, $0xF;
	s25 =	ssub.s32 s8, s17  }
0x12: {  	[dreg:$0xe] =	wrdreg s28;
	s12 =	sadd.s32 s11, s12;
	s29 =	sadd.s32 s9, s10  }
0x13: {  	s17 =	sshll.u32 s25, $0xF;
	s10 =	sadd.s32 s4, s30;
	p0 =	slt.s32 s25, $0x7  }
0x14: {  	s30 =	simm.s32 $0x5900;
	s14 =	sor.u32 $0x10, s12;
	s15 =	sor.u32 $0x20, s12  }
0x15: {  	s16 =	sor.u32 $0x30, s12;
	s5 =	sor.u32 $0x40, s12;
	s6 =	sor.u32 $0x50, s12  }
0x16: {  	s7 =	sor.u32 $0x60, s12;
	s8 =	sshrl.u32 s29, $0x3;
	s9 =	sadd.s32 s9, s17  }
0x17: {  	v20 =	vlaneseq.u32;
	s31 =	sadd.s32 $0x7000, s10;
	s10 =	sor.u32 $0x70, s12;
	s17 =	sshll.u32 s25, $0x7  }
0x18: {  	v0 =	vadd.s32 s12, v20;
	s29 =	simm.s32 $0x5100;
	[dreg:$0x10] =	wrdreg s30;
	s12 =	simm.s32 $0x9900  }
0x19: {  	p2 =	seq.s32 @!p0 s25, $0x7;
	s25 =	simm.s32 $0x1;
	[dreg:$0x4] =	wrdreg s31  }
0x1a: {  	vm0 =	vmmov $0xffff;
	v6 =	vshrl.u32 v20, $0x3;
	v11 =	vor.u32 $0x8, v20;
	s8 =	sadd.s32 s4, s8;
	s9 =	sshrl.u32 s9, $0x3;
	[dreg:$0xf] =	wrdreg s29  }
0x1b: {  	v1 =	vadd.s32 s14, v20;
	s31 =	simm.s32 $0x6100;
	v7 =	vadd.s32 s6, v20;
	v8 =	vadd.s32 s7, v20;
	s6 =	simm.s32 $0x6900;
	s7 =	simm.s32 $0x7100  }
0x1c: {  	v2 =	vadd.s32 s15, v20;
	v4 =	vshll.u32 v0, $0x1;
	v9 =	vadd.s32 s10, v20;
	s10 =	simm.s32 $0x8900;
	s14 =	simm.s32 $0xA900;
	s15 =	simm.s32 $0xB100  }
0x1d: {  	v3 =	vadd.s32 s16, v20;
	v5 =	vand.u32 $0x7, v0;
	s16 =	simm.s32 $0xB900;
	p1 =	por !p2, p0;
	p2 =	por p2, p0;
	v4 =	vand.u32 $0x7FFFFFF0, v4  }
0x1e: {  	v6 =	vmul.u32 $0x8, v6;
	[dreg:$0x3] =	wrdreg s8;
	s4 =	sadd.s32 s4, s9;
	s8 =	sadd.s32 s11, s17;
	v13 =	vor.u32 v5, v4;
	v4 =	vand.u32 $0x7, v20  }
0x1f: {  	[dreg:$0x11] =	wrdreg s31;
	s9 =	simm.s32 $0x8100;
	s11 =	sor.u32 $0x10, s8;
	v5 =	vadd.s32 s5, v20;
	v12 =	vadd.s32 s8, v20;
	v10 =	vperm.xlane v13, v4  }
0x20: {  	[dreg:$0x5] =	wrdreg s4;
	s17 =	sor.u32 $0x20, s8;
	s18 =	sor.u32 $0x30, s8;
	v18 =	vperm.xlane v13, v11;
	v13 =	vadd.s32 s11, v20;
	v15 =	vshll.u32 v12, $0x1  }
0x21: {  	s19 =	sor.u32 $0x40, s8;
	s20 =	sor.u32 $0x50, s8;
	s23 =	sor.u32 $0x60, s8;
	v14 =	vadd.s32 s17, v20;
	v17 =	vand.u32 $0x7, v12;
	v19 =	vand.u32 $0xFFFFFFF0, v15  }
0x22: {  	s24 =	sor.u32 $0x70, s8;
	s4 =	smax.u32 s13, $0x1;
	s5 =	simm.s32 $0x100;
	v16 =	vadd.s32 s19, v20;
	v15 =	vadd.s32 s18, v20;
	v19 =	vor.u32 v17, v19  }
0x23: {  	s8 =	simm.s32 $0x7900;
	s13 =	simm.s32 $0xA100;
	s11 =	simm.s32 $0x9100;
	v10 =	vadd.s32 v6, v10;
	v21 =	vperm.xlane v19, v4;
	v22 =	vperm.xlane v19, v11  }
0x24: {  	s17 =	simm.s32 $0xC100;
	s19 =	simm.s32 $0xD100;
	s18 =	simm.s32 $0xC900;
	v17 =	vadd.s32 s20, v20;
	v18 =	vadd.s32 v6, v18;
	v19 =	vadd.s32 s23, v20  }
0x25: {  	s20 =	simm.s32 $0xD900;
	v20 =	vadd.s32 s24, v20;
	s23 =	simm.s32 $0xF100;
	s24 =	simm.s32 $0xF900;
	v21 =	vadd.s32 v6, v21;
	v22 =	vadd.s32 v6, v22  }
.LBB2_1:
0x26: {  	[tilespmem:$0x0] =	vst v0  }
0x27: {  	[tilespmem:$0x10] =	vst v1  }
0x28: {  	[tilespmem:$0x20] =	vst v2  }
0x29: {  	[tilespmem:$0x30] =	vst v3  }
0x2a: {  	[tilespmem:$0x40] =	vst v5  }
0x2b: {  	[tilespmem:$0x50] =	vst v7  }
0x2c: {  	[tilespmem:$0x60] =	vst v8  }
0x2d: {  	[tilespmem:$0x70] =	vst v9  }
0x2e: {  	[tilespmem:s5], [sflag:$0x1] =	stream.indirect_vreg.gather [hbm4b:s1+s3], $0x80, v10, vm0, $0xb8;
	[tilespmem:$0x10100] =	vst v63  }
0x2f: {  	s26 =	rddreg [dreg:$0x6]  }
0x30: {  	[tilespmem:s26], [sflag:$0x1] =	stream.indirect_vreg.gather [hbm4b:s1+s3], $0x80, v18, vm0, $0xb8;
	[tilespmem:$0x10100] =	vst v63  }
0x31: {  	v23 =	vld [tilespmem:$0x10];
	_ =	sdelay $0x4  }
0x32: {  	v24 =	vshll.u32 v23, $0x1  }
0x33: {  	v23 =	vand.u32 $0x7, v23;
	v24 =	vand.u32 $0xFFFFFFF0, v24  }
0x34: {  	v23 =	vor.u32 v23, v24  }
0x35: {  	v24 =	vperm.xlane v23, v4;
	_ =	sdelay $0x1  }
0x36: {  	v23 =	vperm.xlane v23, v11;
	v24 =	vadd.s32 v6, v24;
	_ =	sdelay $0x1  }
0x37: {  	v23 =	vadd.s32 v6, v23;
	_ =	sdelay $0x1  }
0x38: {  	s30 =	rddreg [dreg:$0x7]  }
0x39: {  	[tilespmem:s30], [sflag:$0x1] =	stream.indirect_vreg.gather [hbm4b:s1+s3], $0x80, v24, vm0, $0xb8;
	[tilespmem:$0x10100] =	vst v63  }
0x3a: {  	s28 =	rddreg [dreg:$0x8]  }
0x3b: {  	[tilespmem:s28], [sflag:$0x1] =	stream.indirect_vreg.gather [hbm4b:s1+s3], $0x80, v23, vm0, $0xb8;
	[tilespmem:$0x10100] =	vst v63  }
0x3c: {  	v23 =	vld [tilespmem:$0x20];
	_ =	sdelay $0x4  }
0x3d: {  	v51 =	vshll.u32 v23, $0x1  }
0x3e: {  	v23 =	vand.u32 $0x7, v23;
	v24 =	vand.u32 $0xFFFFFFF0, v51  }
0x3f: {  	v23 =	vor.u32 v23, v24  }
0x40: {  	v24 =	vperm.xlane v23, v4;
	_ =	sdelay $0x1  }
0x41: {  	v23 =	vperm.xlane v23, v11;
	v24 =	vadd.s32 v6, v24;
	_ =	sdelay $0x1  }
0x42: {  	v23 =	vadd.s32 v6, v23;
	_ =	sdelay $0x1  }
0x43: {  	s31 =	rddreg [dreg:$0x9]  }
0x44: {  	[tilespmem:s31], [sflag:$0x1] =	stream.indirect_vreg.gather [hbm4b:s1+s3], $0x80, v24, vm0, $0xb8;
	[tilespmem:$0x10100] =	vst v63  }
0x45: {  	s29 =	rddreg [dreg:$0xa]  }
0x46: {  	[tilespmem:s29], [sflag:$0x1] =	stream.indirect_vreg.gather [hbm4b:s1+s3], $0x80, v23, vm0, $0xb8;
	[tilespmem:$0x10100] =	vst v63  }
0x47: {  	v23 =	vld [tilespmem:$0x30];
	_ =	sdelay $0x4  }
0x48: {  	v52 =	vshll.u32 v23, $0x1  }
0x49: {  	v23 =	vand.u32 $0x7, v23;
	v24 =	vand.u32 $0xFFFFFFF0, v52  }
0x4a: {  	v23 =	vor.u32 v23, v24  }
0x4b: {  	v24 =	vperm.xlane v23, v4;
	_ =	sdelay $0x1  }
0x4c: {  	v23 =	vperm.xlane v23, v11;
	v24 =	vadd.s32 v6, v24;
	_ =	sdelay $0x1  }
0x4d: {  	v23 =	vadd.s32 v6, v23;
	_ =	sdelay $0x1  }
0x4e: {  	s30 =	rddreg [dreg:$0xb]  }
0x4f: {  	[tilespmem:s30], [sflag:$0x1] =	stream.indirect_vreg.gather [hbm4b:s1+s3], $0x80, v24, vm0, $0xb8;
	[tilespmem:$0x10100] =	vst v63  }
0x50: {  	s31 =	rddreg [dreg:$0xc]  }
0x51: {  	[tilespmem:s31], [sflag:$0x1] =	stream.indirect_vreg.gather [hbm4b:s1+s3], $0x80, v23, vm0, $0xb8;
	[tilespmem:$0x10100] =	vst v63  }
0x52: {  	v23 =	vld [tilespmem:$0x40];
	_ =	sdelay $0x4  }
0x53: {  	v53 =	vshll.u32 v23, $0x1  }
0x54: {  	v23 =	vand.u32 $0x7, v23;
	v24 =	vand.u32 $0xFFFFFFF0, v53  }
0x55: {  	v23 =	vor.u32 v23, v24  }
0x56: {  	v24 =	vperm.xlane v23, v4;
	_ =	sdelay $0x1  }
0x57: {  	v23 =	vperm.xlane v23, v11;
	v24 =	vadd.s32 v6, v24;
	_ =	sdelay $0x1  }
0x58: {  	v23 =	vadd.s32 v6, v23;
	_ =	sdelay $0x1  }
0x59: {  	s29 =	rddreg [dreg:$0xd]  }
0x5a: {  	[tilespmem:s29], [sflag:$0x1] =	stream.indirect_vreg.gather [hbm4b:s1+s3], $0x80, v24, vm0, $0xb8;
	[tilespmem:$0x10100] =	vst v63  }
0x5b: {  	s30 =	rddreg [dreg:$0xe]  }
0x5c: {  	[tilespmem:s30], [sflag:$0x1] =	stream.indirect_vreg.gather [hbm4b:s1+s3], $0x80, v23, vm0, $0xb8;
	[tilespmem:$0x10100] =	vst v63  }
0x5d: {  	v23 =	vld [tilespmem:$0x50];
	_ =	sdelay $0x4  }
0x5e: {  	v54 =	vshll.u32 v23, $0x1  }
0x5f: {  	v23 =	vand.u32 $0x7, v23;
	v24 =	vand.u32 $0xFFFFFFF0, v54  }
0x60: {  	v23 =	vor.u32 v23, v24  }
0x61: {  	v24 =	vperm.xlane v23, v4;
	_ =	sdelay $0x1  }
0x62: {  	v23 =	vperm.xlane v23, v11;
	v24 =	vadd.s32 v6, v24;
	_ =	sdelay $0x1  }
0x63: {  	v23 =	vadd.s32 v6, v23;
	_ =	sdelay $0x1  }
0x64: {  	s31 =	rddreg [dreg:$0xf]  }
0x65: {  	[tilespmem:s31], [sflag:$0x1] =	stream.indirect_vreg.gather [hbm4b:s1+s3], $0x80, v24, vm0, $0xb8;
	[tilespmem:$0x10100] =	vst v63  }
0x66: {  	s29 =	rddreg [dreg:$0x10]  }
0x67: {  	[tilespmem:s29], [sflag:$0x1] =	stream.indirect_vreg.gather [hbm4b:s1+s3], $0x80, v23, vm0, $0xb8;
	[tilespmem:$0x10100] =	vst v63  }
0x68: {  	v23 =	vld [tilespmem:$0x60];
	_ =	sdelay $0x4  }
0x69: {  	v55 =	vshll.u32 v23, $0x1  }
0x6a: {  	v23 =	vand.u32 $0x7, v23;
	v24 =	vand.u32 $0xFFFFFFF0, v55  }
0x6b: {  	v23 =	vor.u32 v23, v24  }
0x6c: {  	v24 =	vperm.xlane v23, v4;
	_ =	sdelay $0x1  }
0x6d: {  	v23 =	vperm.xlane v23, v11;
	v24 =	vadd.s32 v6, v24;
	_ =	sdelay $0x1  }
0x6e: {  	v23 =	vadd.s32 v6, v23;
	_ =	sdelay $0x1  }
0x6f: {  	s30 =	rddreg [dreg:$0x11]  }
0x70: {  	[tilespmem:s30], [sflag:$0x1] =	stream.indirect_vreg.gather [hbm4b:s1+s3], $0x80, v24, vm0, $0xb8;
	[tilespmem:$0x10100] =	vst v63  }
0x71: {  	_ = 	snop  }
0x72: {  	[tilespmem:s6], [sflag:$0x1] =	stream.indirect_vreg.gather [hbm4b:s1+s3], $0x80, v23, vm0, $0xb8;
	[tilespmem:$0x10100] =	vst v63  }
0x73: {  	v23 =	vld [tilespmem:$0x70];
	_ =	sdelay $0x4  }
0x74: {  	v56 =	vshll.u32 v23, $0x1  }
0x75: {  	v23 =	vand.u32 $0x7, v23;
	v24 =	vand.u32 $0xFFFFFFF0, v56  }
0x76: {  	v23 =	vor.u32 v23, v24  }
0x77: {  	v24 =	vperm.xlane v23, v4;
	_ =	sdelay $0x1  }
0x78: {  	v23 =	vperm.xlane v23, v11;
	v24 =	vadd.s32 v6, v24;
	_ =	sdelay $0x1  }
0x79: {  	v23 =	vadd.s32 v6, v23;
	_ =	sdelay $0x2  }
0x7a: {  	[tilespmem:s7], [sflag:$0x1] =	stream.indirect_vreg.gather [hbm4b:s1+s3], $0x80, v24, vm0, $0xb8;
	[tilespmem:$0x10100] =	vst v63  }
0x7b: {  	_ = 	snop  }
0x7c: {  	[tilespmem:s8], [sflag:$0x1] =	stream.indirect_vreg.gather [hbm4b:s1+s3], $0x80, v23, vm0, $0xb8;
	[tilespmem:$0x10100] =	vst v63  }
0x7d: {  	[tilespmem:$0x80] =	vst v12  }
0x7e: {  	[tilespmem:$0x90] =	vst v13  }
0x7f: {  	[tilespmem:$0xA0] =	vst v14  }
0x80: {  	[tilespmem:$0xB0] =	vst v15  }
0x81: {  	[tilespmem:$0xC0] =	vst v16  }
0x82: {  	[tilespmem:$0xD0] =	vst v17  }
0x83: {  	[tilespmem:$0xE0] =	vst v19  }
0x84: {  	[tilespmem:$0xF0] =	vst v20  }
0x85: {  	[tilespmem:s9], [sflag:$0x1] =	stream.indirect_vreg.gather [hbm4b:s1+s3], $0x80, v21, vm0, $0xb8;
	[tilespmem:$0x10100] =	vst v63  }
0x86: {  	_ = 	snop  }
0x87: {  	[tilespmem:s10], [sflag:$0x1] =	stream.indirect_vreg.gather [hbm4b:s1+s3], $0x80, v22, vm0, $0xb8;
	[tilespmem:$0x10100] =	vst v63  }
0x88: {  	v23 =	vld [tilespmem:$0x90];
	_ =	sdelay $0x4  }
0x89: {  	v57 =	vshll.u32 v23, $0x1  }
0x8a: {  	v23 =	vand.u32 $0x7, v23;
	v24 =	vand.u32 $0xFFFFFFF0, v57  }
0x8b: {  	v23 =	vor.u32 v23, v24  }
0x8c: {  	v24 =	vperm.xlane v23, v4;
	_ =	sdelay $0x1  }
0x8d: {  	v23 =	vperm.xlane v23, v11;
	v24 =	vadd.s32 v6, v24;
	_ =	sdelay $0x1  }
0x8e: {  	v23 =	vadd.s32 v6, v23;
	_ =	sdelay $0x2  }
0x8f: {  	[tilespmem:s11], [sflag:$0x1] =	stream.indirect_vreg.gather [hbm4b:s1+s3], $0x80, v24, vm0, $0xb8;
	[tilespmem:$0x10100] =	vst v63  }
0x90: {  	_ = 	snop  }
0x91: {  	[tilespmem:s12], [sflag:$0x1] =	stream.indirect_vreg.gather [hbm4b:s1+s3], $0x80, v23, vm0, $0xb8;
	[tilespmem:$0x10100] =	vst v63  }
0x92: {  	v23 =	vld [tilespmem:$0xA0];
	_ =	sdelay $0x4  }
0x93: {  	v58 =	vshll.u32 v23, $0x1  }
0x94: {  	v23 =	vand.u32 $0x7, v23;
	v24 =	vand.u32 $0xFFFFFFF0, v58  }
0x95: {  	v23 =	vor.u32 v23, v24  }
0x96: {  	v24 =	vperm.xlane v23, v4;
	_ =	sdelay $0x1  }
0x97: {  	v23 =	vperm.xlane v23, v11;
	v24 =	vadd.s32 v6, v24;
	_ =	sdelay $0x1  }
0x98: {  	v23 =	vadd.s32 v6, v23;
	_ =	sdelay $0x2  }
0x99: {  	[tilespmem:s13], [sflag:$0x1] =	stream.indirect_vreg.gather [hbm4b:s1+s3], $0x80, v24, vm0, $0xb8;
	[tilespmem:$0x10100] =	vst v63  }
0x9a: {  	_ = 	snop  }
0x9b: {  	[tilespmem:s14], [sflag:$0x1] =	stream.indirect_vreg.gather [hbm4b:s1+s3], $0x80, v23, vm0, $0xb8;
	[tilespmem:$0x10100] =	vst v63  }
0x9c: {  	v23 =	vld [tilespmem:$0xB0];
	_ =	sdelay $0x4  }
0x9d: {  	v59 =	vshll.u32 v23, $0x1  }
0x9e: {  	v23 =	vand.u32 $0x7, v23;
	v24 =	vand.u32 $0xFFFFFFF0, v59  }
0x9f: {  	v23 =	vor.u32 v23, v24  }
0xa0: {  	v24 =	vperm.xlane v23, v4;
	_ =	sdelay $0x1  }
0xa1: {  	v23 =	vperm.xlane v23, v11;
	v24 =	vadd.s32 v6, v24;
	_ =	sdelay $0x1  }
0xa2: {  	v23 =	vadd.s32 v6, v23;
	_ =	sdelay $0x2  }
0xa3: {  	[tilespmem:s15], [sflag:$0x1] =	stream.indirect_vreg.gather [hbm4b:s1+s3], $0x80, v24, vm0, $0xb8;
	[tilespmem:$0x10100] =	vst v63  }
0xa4: {  	_ = 	snop  }
0xa5: {  	[tilespmem:s16], [sflag:$0x1] =	stream.indirect_vreg.gather [hbm4b:s1+s3], $0x80, v23, vm0, $0xb8;
	[tilespmem:$0x10100] =	vst v63  }
0xa6: {  	v23 =	vld [tilespmem:$0xC0];
	_ =	sdelay $0x4  }
0xa7: {  	v60 =	vshll.u32 v23, $0x1  }
0xa8: {  	v23 =	vand.u32 $0x7, v23;
	v24 =	vand.u32 $0xFFFFFFF0, v60  }
0xa9: {  	v23 =	vor.u32 v23, v24  }
0xaa: {  	v24 =	vperm.xlane v23, v4;
	_ =	sdelay $0x1  }
0xab: {  	v23 =	vperm.xlane v23, v11;
	v24 =	vadd.s32 v6, v24;
	_ =	sdelay $0x1  }
0xac: {  	v23 =	vadd.s32 v6, v23;
	_ =	sdelay $0x2  }
0xad: {  	[tilespmem:s17], [sflag:$0x1] =	stream.indirect_vreg.gather [hbm4b:s1+s3], $0x80, v24, vm0, $0xb8;
	[tilespmem:$0x10100] =	vst v63  }
0xae: {  	_ = 	snop  }
0xaf: {  	[tilespmem:s18], [sflag:$0x1] =	stream.indirect_vreg.gather [hbm4b:s1+s3], $0x80, v23, vm0, $0xb8;
	[tilespmem:$0x10100] =	vst v63  }
0xb0: {  	v23 =	vld [tilespmem:$0xD0];
	_ =	sdelay $0x4  }
0xb1: {  	v61 =	vshll.u32 v23, $0x1  }
0xb2: {  	v23 =	vand.u32 $0x7, v23;
	v24 =	vand.u32 $0xFFFFFFF0, v61  }
0xb3: {  	v23 =	vor.u32 v23, v24  }
0xb4: {  	v24 =	vperm.xlane v23, v4;
	_ =	sdelay $0x1  }
0xb5: {  	v23 =	vperm.xlane v23, v11;
	v24 =	vadd.s32 v6, v24;
	_ =	sdelay $0x1  }
0xb6: {  	v23 =	vadd.s32 v6, v23;
	_ =	sdelay $0x2  }
0xb7: {  	[tilespmem:s19], [sflag:$0x1] =	stream.indirect_vreg.gather [hbm4b:s1+s3], $0x80, v24, vm0, $0xb8;
	[tilespmem:$0x10100] =	vst v63  }
0xb8: {  	_ = 	snop  }
0xb9: {  	[tilespmem:s20], [sflag:$0x1] =	stream.indirect_vreg.gather [hbm4b:s1+s3], $0x80, v23, vm0, $0xb8;
	[tilespmem:$0x10100] =	vst v63  }
0xba: {  	v23 =	vld [tilespmem:$0xE0];
	_ =	sdelay $0x4  }
0xbb: {  	v62 =	vshll.u32 v23, $0x1  }
0xbc: {  	v23 =	vand.u32 $0x7, v23;
	v24 =	vand.u32 $0xFFFFFFF0, v62  }
0xbd: {  	v23 =	vor.u32 v23, v24  }
0xbe: {  	v24 =	vperm.xlane v23, v4;
	_ =	sdelay $0x1  }
0xbf: {  	v23 =	vperm.xlane v23, v11;
	v24 =	vadd.s32 v6, v24;
	_ =	sdelay $0x1  }
0xc0: {  	v23 =	vadd.s32 v6, v23;
	_ =	sdelay $0x2  }
0xc1: {  	[tilespmem:s21], [sflag:$0x1] =	stream.indirect_vreg.gather [hbm4b:s1+s3], $0x80, v24, vm0, $0xb8;
	[tilespmem:$0x10100] =	vst v63  }
0xc2: {  	_ = 	snop  }
0xc3: {  	[tilespmem:s22], [sflag:$0x1] =	stream.indirect_vreg.gather [hbm4b:s1+s3], $0x80, v23, vm0, $0xb8;
	[tilespmem:$0x10100] =	vst v63  }
0xc4: {  	v23 =	vld [tilespmem:$0xF0];
	_ =	sdelay $0x4  }
0xc5: {  	v63 =	vshll.u32 v23, $0x1  }
0xc6: {  	v23 =	vand.u32 $0x7, v23;
	v24 =	vand.u32 $0xFFFFFFF0, v63  }
0xc7: {  	v23 =	vor.u32 v23, v24  }
0xc8: {  	v24 =	vperm.xlane v23, v4;
	_ =	sdelay $0x1  }
0xc9: {  	v23 =	vperm.xlane v23, v11;
	v24 =	vadd.s32 v6, v24;
	_ =	sdelay $0x1  }
0xca: {  	v23 =	vadd.s32 v6, v23;
	_ =	sdelay $0x2  }
0xcb: {  	[tilespmem:s23], [sflag:$0x1] =	stream.indirect_vreg.gather [hbm4b:s1+s3], $0x80, v24, vm0, $0xb8;
	[tilespmem:$0x10100] =	vst v63  }
0xcc: {  	_ = 	snop  }
0xcd: {  	[tilespmem:s24], [sflag:$0x1] =	stream.indirect_vreg.gather [hbm4b:s1+s3], $0x80, v23, vm0, $0xb8;
	[tilespmem:$0x10100] =	vst v63  }
0xce: {  	_ =	swait.ge [sflag:s25], $0x8000  }
0xcf: {  	[sflag:s25] =	ssyncset.done $0x0  }
0xd0: {  	s31 =	rddreg [dreg:$0x3];
	[sflag:s25] =	ssyncadd.s32 $0xFFFF8000  }
0xd1: {  	[hbm4b:s31+s3] =	stream.linear.scatter [tilespmem:s5], [sflag:$0x2], $0x8000, $0x38;
	[tilespmem:$0x10100] =	vst v63  }
0xd2: {  	_ =	swait.ge [sflag:s25], $0x8000  }
0xd3: {  	s28 =	simm.s32 @p0 $0x0;
	[sflag:s25] =	ssyncset.done $0x0  }
0xd4: {  	s29 =	simm.s32 @p0 $0x8100;
	s26 =	rddreg [dreg:$0x5];
	[sflag:s25] =	ssyncadd.s32 $0xFFFF8000  }
0xd5: {  	[hbm4b:s26+s28] =	stream.linear.scatter @p0 [tilespmem:s29], [sflag:$0x2], $0x8000, $0x38;
	[tilespmem:$0x10100] =	vst v63  }
0xd6: {  	s26 =	simm.s32 @p0 $0x2  }
0xd7: {  	_ =	swait.ge @p0 [sflag:s26], $0x8000  }
0xd8: {  	[sflag:s26] =	ssyncset.done @p0 $0x0  }
0xd9: {  	[sflag:s26] =	ssyncadd.s32 @p0 $0xFFFF8000  }
0xda: {  	_ =	swait.ge @p0 [sflag:s26], $0x8000  }
0xdb: {  	s29 =	simm.s32 @!p1 $0x8100;
	[sflag:s26] =	ssyncset.done @p0 $0x0  }
0xdc: {  	s28 =	rddreg [dreg:$0x4];
	[sflag:s26] =	ssyncadd.s32 @p0 $0xFFFF8000;
	s26 =	simm.s32 @!p1 $0x0  }
0xdd: {  	[hbm4b:s28+s26] =	stream.linear.scatter @!p1 [tilespmem:s29], [sflag:$0x2], $0x7800, $0x38;
	[tilespmem:$0x10100] =	vst v63  }
0xde: {  	s26 =	simm.s32 @!p1 $0x2  }
0xdf: {  	_ =	swait.ge @!p1 [sflag:s26], $0x8000  }
0xe0: {  	[sflag:s26] =	ssyncset.done @!p1 $0x0  }
0xe1: {  	s4 =	sadd.s32 $0xFFFFFFFF, s4;
	[sflag:s26] =	ssyncadd.s32 @!p1 $0xFFFF8000  }
0xe2: {  	p3 =	sne.s32 s4, $0x0;
	_ =	swait.ge @!p1 [sflag:s26], $0x7800  }
.Ltmp0:
0xe3: {  	[sflag:s26] =	ssyncset.done @!p1 $0x0;
	(pc) =	sbr.rel @p3 .LBB2_1-.Ltmp0, $4  }
0xe4: {  	[sflag:s26] =	ssyncadd.s32 @!p1 $0xFFFF8800;
	s26 =	simm.s32 @!p2 $0x2  }
0xe5: {  	_ =	swait.ge @!p2 [sflag:s26], $0x8000  }
0xe6: {  	[sflag:s26] =	ssyncset.done @!p2 $0x0  }
0xe7: {  	[sflag:s26] =	ssyncadd.s32 @!p2 $0xFFFF8000  }
0xe8: {  	_ =	sfence.sel $0x180000  }
0xe9: {  	[bflag:$0x0] =	sbarrier.arrive $0xFFFF  }
0xea: {  	p0 =	sne.s32 s2, $0x0;
	_ =	strace $0x90000047  }
0xeb: {  	s0 =	sadd.s32 @!p0 $0x100000, s0;
	[bflag:$0x2] =	sbarrier.arrive $0xFFFF  }
0xec: {  	[sflag:s0] =	ssyncadd.tile.s32 @!p0 $0x1;
	_ =	shalt  }
.Lfunc_end2:
_tile_overlayer_lowered:
.L_overlay_start_2:
0xed: {  	(tag) =	ssettag $0x2  }
0xee: {  	s0 =	rddreg [dreg:$0x0];
	s2 =	stileid.u32  }
0xef: {  	s1 =	rddreg [dreg:$0x1];
	p0 =	sne.s32 s2, $0x0  }
0xf0: {  	s3 =	rddreg [dreg:$0x2];
	[bflag:$0x3] =	sbarrier.arrive $0xFFFF;
	s2 =	simm.s32 @!p0 $0x1C03  }
0xf1: {  	[timem:s3], [sflag:s2] =	dma.local @!p0 [hbm:s0], s1  }
0xf2: {  	s0 =	simm.s32 @!p0 $0x3  }
0xf3: {  	_ =	swait.ge @!p0 [sflag:s0], s1  }
0xf4: {  	s1 =	ssub.s32 @!p0 $0x0, s1;
	[sflag:s0] =	ssyncset.done @!p0 $0x0  }
0xf5: {  	[sflag:s0] =	ssyncadd.s32 @!p0 s1  }
0xf6: {  	[bflag:$0x3] =	sbarrier.arrive $0xFFFF  }
0xf7: {  	_ =	shalt  }

</sc_bundles>
